<compile_context>
chip_gen: v7x
topology: tpu7x:2x2x1
jax: 0.10.2.dev20260603
libtpu: 0.0.44.dev20260713+nightly
codegen_flags: <defaults>
</compile_context>

<pallas_src>
import jax
import jax.numpy as jnp
from jax import lax
from jax.experimental import pallas as pl
from jax.experimental.pallas import tpu as pltpu
from jax.experimental.pallas import tpu_sc as plsc

N = 50000
E = 1600000
F_IN = 4
HIDDEN = 64

NC = 2
NS = 16
NW = NC * NS
L = 16

EW_A = E // NW
CH_A = 2000
NCH_A = EW_A // CH_A
G_A = 5
G_C = 10
SH_C = 8
EW_C = E // SH_C
CH_C = 4000
NCH_C = EW_C // CH_C

_SC_PARAMS = pltpu.CompilerParams(needs_layout_passes=False,
                                  disable_bounds_checks=True)
_MESH = dict(core_axis_name="c", subcore_axis_name="s")


def _zero(acc, n):
    @pl.loop(0, n // L, unroll=8)
    def _(i):
        acc[pl.ds(i * L, L)] = jnp.zeros((L,), jnp.float32)


def _sc_deg_body(ei_hbm, out_hbm, idxb0, idxb1, acc, sem0, sem1):
    wid = lax.axis_index("c") * NS + lax.axis_index("s")
    _zero(acc, N)
    base = wid * EW_A
    ones = jnp.ones((L,), jnp.float32)
    sems = (sem0, sem1)
    idxb = (idxb0, idxb1)

    def start(k, b):
        pltpu.async_copy(ei_hbm.at[pl.ds(E + base + k * CH_A, CH_A)],
                         idxb[b], sems[b])

    def wait(b):
        pltpu.make_async_copy(ei_hbm.at[pl.ds(E + base, CH_A)],
                              idxb[b], sems[b]).wait()

    def compute(b):
        @pl.loop(0, CH_A // (L * G_A))
        def _(j):
            j0 = j * (L * G_A)
            ivs = [idxb[b][pl.ds(j0 + g * L, L)] for g in range(G_A)]
            for iv in ivs:
                plsc.addupdate_scatter(acc, [iv], ones)

    start(0, 0)

    @pl.loop(0, NCH_A // 2)
    def _(p):
        k0 = 2 * p
        start(k0 + 1, 1)
        wait(0)
        compute(0)

        @pl.when(k0 + 2 < NCH_A)
        def _():
            start(k0 + 2, 0)

        wait(1)
        compute(1)

    if NCH_A % 2:
        wait(0)
        compute(0)

    pltpu.sync_copy(acc, out_hbm.at[wid])


def _sc_gather_body(ei_hbm, xs_hbm, out_hbm,
                    srcb0, srcb1, dstb0, dstb1, xcol, acc, sem0, sem1):
    wid = lax.axis_index("c") * NS + lax.axis_index("s")
    col = wid // SH_C
    shard = lax.rem(wid, SH_C)
    _zero(acc, N)
    pltpu.sync_copy(xs_hbm.at[col], xcol)
    base = shard * EW_C
    sems = (sem0, sem1)
    srcb = (srcb0, srcb1)
    dstb = (dstb0, dstb1)

    def start(k, b):
        pltpu.async_copy(ei_hbm.at[pl.ds(base + k * CH_C, CH_C)],
                         srcb[b], sems[b])
        pltpu.async_copy(ei_hbm.at[pl.ds(E + base + k * CH_C, CH_C)],
                         dstb[b], sems[b])

    def wait(b):
        pltpu.make_async_copy(ei_hbm.at[pl.ds(base, CH_C)],
                              srcb[b], sems[b]).wait()
        pltpu.make_async_copy(ei_hbm.at[pl.ds(E + base, CH_C)],
                              dstb[b], sems[b]).wait()

    def compute(b):
        @pl.loop(0, CH_C // (L * G_C))
        def _(j):
            j0 = j * (L * G_C)
            svs = [srcb[b][pl.ds(j0 + g * L, L)] for g in range(G_C)]
            dvs = [dstb[b][pl.ds(j0 + g * L, L)] for g in range(G_C)]
            vs = []
            for g in range(G_C):
                vs.append(plsc.load_gather(xcol, [svs[g]]))
                if g >= 2:
                    plsc.addupdate_scatter(acc, [dvs[g - 2]], vs[g - 2])
            plsc.addupdate_scatter(acc, [dvs[G_C - 2]], vs[G_C - 2])
            plsc.addupdate_scatter(acc, [dvs[G_C - 1]], vs[G_C - 1])

    start(0, 0)

    @pl.loop(0, NCH_C // 2)
    def _(p):
        k0 = 2 * p
        start(k0 + 1, 1)
        wait(0)
        compute(0)

        @pl.when(k0 + 2 < NCH_C)
        def _():
            start(k0 + 2, 0)

        wait(1)
        compute(1)

    pltpu.sync_copy(acc, out_hbm.at[wid])


def _tc_b_body(degp_ref, d1_ref, xs_ref, dinv_ref):
    deg = jnp.sum(degp_ref[...], axis=0, keepdims=True) + 1.0
    dinv = lax.rsqrt(deg)
    dinv_ref[...] = dinv
    xs_ref[...] = jnp.transpose(d1_ref[...]) * dinv


def _dot(a, b):
    return jax.lax.dot_general(
        a, b, (((1,), (0,)), ((), ())),
        preferred_element_type=jnp.float32,
    )


def _tc_d_body(sp_ref, xs_ref, dinv_ref, et_ref, cwt_ref, cb_ref, w1at_ref,
               w1bt_ref, b1_ref, w2t_ref, b2_ref, out_ref):
    spv = sp_ref[...]
    parts = [jnp.sum(spv[SH_C * f:SH_C * (f + 1)], axis=0, keepdims=True)
             for f in range(F_IN)]
    scols = jnp.concatenate(parts, axis=0)
    dv = dinv_ref[...]
    m = dv * (scols + xs_ref[...])
    h = _dot(cwt_ref[...], m) + cb_ref[...]
    z = _dot(w1at_ref[...], h) + w1bt_ref[...] * et_ref[...] + b1_ref[...]
    z = jnp.maximum(z, 0.0)
    y = _dot(w2t_ref[...], z) + b2_ref[...]
    out_ref[...] = jax.nn.sigmoid(y)


def kernel(data1, edge_index, batch, ego_time, ego_mask,
           conv_W, conv_b, lin1_W, lin1_b, lin2_W, lin2_b):
    eflat = edge_index.reshape(2 * E)
    et = ego_time.reshape(1, N)
    cwt = conv_W.T
    cb = conv_b.reshape(HIDDEN, 1)
    w1at = lin1_W[:HIDDEN].T
    w1bt = lin1_W[HIDDEN:].T
    b1 = lin1_b.reshape(-1, 1)
    w2t = lin2_W.T
    b2 = lin2_b.reshape(1, 1)

    deg_p = pl.kernel(
        _sc_deg_body,
        out_type=jax.ShapeDtypeStruct((NW, N), jnp.float32),
        mesh=plsc.VectorSubcoreMesh(**_MESH),
        scratch_types=[
            pltpu.VMEM((CH_A,), jnp.int32),
            pltpu.VMEM((CH_A,), jnp.int32),
            pltpu.VMEM((N,), jnp.float32),
            pltpu.SemaphoreType.DMA,
            pltpu.SemaphoreType.DMA,
        ],
        compiler_params=_SC_PARAMS,
    )(eflat)

    xs, dinv = pl.pallas_call(
        _tc_b_body,
        out_shape=[
            jax.ShapeDtypeStruct((F_IN, N), jnp.float32),
            jax.ShapeDtypeStruct((1, N), jnp.float32),
        ],
    )(deg_p, data1)

    s_p = pl.kernel(
        _sc_gather_body,
        out_type=jax.ShapeDtypeStruct((NW, N), jnp.float32),
        mesh=plsc.VectorSubcoreMesh(**_MESH),
        scratch_types=[
            pltpu.VMEM((CH_C,), jnp.int32),
            pltpu.VMEM((CH_C,), jnp.int32),
            pltpu.VMEM((CH_C,), jnp.int32),
            pltpu.VMEM((CH_C,), jnp.int32),
            pltpu.VMEM((N,), jnp.float32),
            pltpu.VMEM((N,), jnp.float32),
            pltpu.SemaphoreType.DMA,
            pltpu.SemaphoreType.DMA,
        ],
        compiler_params=_SC_PARAMS,
    )(eflat, xs)

    y = pl.pallas_call(
        _tc_d_body,
        out_shape=jax.ShapeDtypeStruct((1, N), jnp.float32),
    )(s_p, xs, dinv, et, cwt, cb, w1at, w1bt, b1, w2t, b2)

    return y[0][:, None]

# --- scband reference (transcript-rebuilt; emitter-appended) ---
"""Pipeline reference for scband-simple-gnn-37701222924601 (READ-ONLY COPY).

The authoritative reference and input builder live on the scoring server;
editing this copy changes nothing except your own understanding.
"""

import jax, jax.numpy as jnp
import numpy as np

N = 50000
E = 1600000
F_IN = 4
HIDDEN = 64
OUT = 1


def setup_inputs(seed: int = 0) -> dict:
    key = jax.random.key(seed)
    ks = jax.random.split(key, 8)
    data1 = jax.random.normal(ks[0], (N, F_IN), dtype=jnp.float32)
    edge_index = jax.random.randint(ks[1], (2, E), 0, N, dtype=jnp.int32)
    batch = jnp.zeros((N,), dtype=jnp.int32)
    ego_time = jax.random.uniform(ks[2], (N,), dtype=jnp.float32)
    ego_mask = jnp.ones((N,), dtype=bool)
    conv_W = jax.random.normal(ks[3], (F_IN, HIDDEN), dtype=jnp.float32) / np.sqrt(F_IN)
    conv_b = jnp.zeros((HIDDEN,), dtype=jnp.float32)
    lin1_W = jax.random.normal(ks[4], (HIDDEN + 1, HIDDEN // 2), dtype=jnp.float32) / np.sqrt(HIDDEN + 1)
    lin1_b = jnp.zeros((HIDDEN // 2,), dtype=jnp.float32)
    lin2_W = jax.random.normal(ks[5], (HIDDEN // 2, OUT), dtype=jnp.float32) / np.sqrt(HIDDEN // 2)
    lin2_b = jnp.zeros((OUT,), dtype=jnp.float32)
    return {
        "data1": data1,
        "edge_index": edge_index,
        "batch": batch,
        "ego_time": ego_time,
        "ego_mask": ego_mask,
        "conv_W": conv_W,
        "conv_b": conv_b,
        "lin1_W": lin1_W,
        "lin1_b": lin1_b,
        "lin2_W": lin2_W,
        "lin2_b": lin2_b,
    }


def reference(data1, edge_index, batch, ego_time, ego_mask,
              conv_W, conv_b, lin1_W, lin1_b, lin2_W, lin2_b):
    # --- GCNConv(4, hidden) with default add_self_loops=True, normalize=True ---
    src = edge_index[0]
    dst = edge_index[1]
    loop = jnp.arange(N, dtype=src.dtype)
    src = jnp.concatenate([src, loop])
    dst = jnp.concatenate([dst, loop])
    deg = jnp.zeros((N,), jnp.float32).at[dst].add(1.0)
    dinv = jnp.where(deg > 0, jax.lax.rsqrt(jnp.maximum(deg, 1e-12)), 0.0)
    norm = dinv[src] * dinv[dst]
    h = data1 @ conv_W
    msg = jnp.take(h, src, axis=0) * norm[:, None]
    agg = jnp.zeros((N, HIDDEN), jnp.float32).at[dst].add(msg)
    agg = agg + conv_b
    # --- data_i = conv_out[ego_mask] (mask is all-True -> N rows) ---
    idx = jnp.nonzero(ego_mask, size=N)[0]
    data_i = jnp.take(agg, idx, axis=0)
    et = jnp.take(ego_time, idx)
    data_i = jnp.concatenate([data_i, et[:, None]], axis=-1)
    # --- MLP head + sigmoid ---
    z = jax.nn.relu(data_i @ lin1_W + lin1_b)
    z = z @ lin2_W + lin2_b
    return jax.nn.sigmoid(z)

if __name__ == "__main__":
    import jax
    _d = setup_inputs()
    print(jax.jit(kernel)(*tuple(_d.values())))

</pallas_src>

<mosaic_0001>
#map = affine_map<(d0, d1) -> (0)>
#map1 = affine_map<(d0, d1) -> (0, 0)>
module attributes {stable_mosaic.version = 14 : i64} {
  func.func @_sc_gather_body(%arg0: i32, %arg1: i32, %arg2: memref<3200000xi32, #tpu.memory_space<hbm>>, %arg3: memref<4x50000xf32, #tpu.memory_space<hbm>>, %arg4: memref<32x50000xf32, #tpu.memory_space<hbm>>, %arg5: memref<4000xi32, #tpu.memory_space<vmem>>, %arg6: memref<4000xi32, #tpu.memory_space<vmem>>, %arg7: memref<4000xi32, #tpu.memory_space<vmem>>, %arg8: memref<4000xi32, #tpu.memory_space<vmem>>, %arg9: memref<50000xf32, #tpu.memory_space<vmem>>, %arg10: memref<50000xf32, #tpu.memory_space<vmem>>, %arg11: memref<!tpu.dma_semaphore, #tpu.memory_space<semaphore_mem>>, %arg12: memref<!tpu.dma_semaphore, #tpu.memory_space<semaphore_mem>>) attributes {dimension_semantics = [#tpu.dimension_semantics<core_parallel>, #tpu.dimension_semantics<subcore_parallel>], iteration_bounds = array<i64: 2, 16>, scalar_prefetch = 0 : i64, scratch_operands = 8 : i64, tpu.core_type = #tpu.core_type<sc_vector_subcore>, window_params = [{transform_indices = #map}, {transform_indices = #map1}, {transform_indices = #map1}]} {
    %mul3A = arith.constant 16 : i32
    %mul3A_0 = arith.muli %arg0, %mul3A : i32
    %add3A = arith.addi %mul3A_0, %arg1 : i32
    %jit3A = arith.constant 8 : i32
    %div3A = arith.divsi %add3A, %jit3A : i32
    %sign3A = arith.constant 0 : i32
    %sign3A_1 = arith.cmpi sgt, %add3A, %sign3A : i32
    %sign3A_2 = arith.extui %sign3A_1 : i1 to i32
    %sign3A_3 = arith.constant 0 : i32
    %sign3A_4 = arith.cmpi slt, %add3A, %sign3A_3 : i32
    %sign3A_5 = arith.extui %sign3A_4 : i1 to i32
    %sign3A_6 = arith.subi %sign3A_2, %sign3A_5 : i32
    %sign3A_7 = arith.constant 0 : i32
    %sign3A_8 = arith.cmpi sgt, %jit3A, %sign3A_7 : i32
    %sign3A_9 = arith.extui %sign3A_8 : i1 to i32
    %sign3A_10 = arith.constant 0 : i32
    %sign3A_11 = arith.cmpi slt, %jit3A, %sign3A_10 : i32
    %sign3A_12 = arith.extui %sign3A_11 : i1 to i32
    %sign3A_13 = arith.subi %sign3A_9, %sign3A_12 : i32
    %ne3A = arith.cmpi ne, %sign3A_6, %sign3A_13 : i32
    %rem3A = arith.remsi %add3A, %jit3A : i32
    %ne3A_14 = arith.constant 0 : i32
    %ne3A_15 = arith.cmpi ne, %rem3A, %ne3A_14 : i32
    %and3A = arith.andi %ne3A, %ne3A_15 : i1
    %sub3A = arith.constant 1 : i32
    %sub3A_16 = arith.subi %div3A, %sub3A : i32
    %select_n3A = arith.select %and3A, %sub3A_16, %div3A : i32
    %rem3A_17 = arith.constant 8 : i32
    %rem3A_18 = arith.remsi %add3A, %rem3A_17 : i32
    %scan3A = arith.constant 0 : i32
    %scan3A_19 = arith.constant 3120 : i32
    %scan3A_20 = arith.addi %scan3A, %scan3A_19 : i32
    %scan3A_21 = arith.constant 8 : i32
    scf.for %scan3A_97 = %scan3A to %scan3A_20 step %scan3A_21  : i32 {
      %mul3A_98 = arith.constant 1 : i32
      %mul3A_99 = arith.muli %scan3A_97, %mul3A_98 : i32
      %add3A_100 = arith.constant 0 : i32
      %add3A_101 = arith.addi %add3A_100, %mul3A_99 : i32
      %broadcast_in_dim3A_102 = arith.constant 0.000000e+00 : f32
      %broadcast_in_dim3A_103 = vector.broadcast %broadcast_in_dim3A_102 : f32 to vector<16xf32>
      %mul3A_104 = arith.constant 16 : i32
      %mul3A_105 = arith.muli %add3A_101, %mul3A_104 : i32
      %swap3A_106 = arith.index_cast %mul3A_105 : i32 to index
      %swap3A_107 = tpu.vector_load %arg10[%swap3A_106] {strides = array<i32>} : memref<50000xf32, #tpu.memory_space<vmem>>, vector<16xf32>,
      tpu.vector_store %arg10[%swap3A_106], %broadcast_in_dim3A_103 {strides = array<i32>} : memref<50000xf32, #tpu.memory_space<vmem>>, vector<16xf32>,
      %scan3A_108 = arith.constant 1 : i32
      %scan3A_109 = arith.addi %scan3A_97, %scan3A_108 : i32
      %mul3A_110 = arith.constant 1 : i32
      %mul3A_111 = arith.muli %scan3A_109, %mul3A_110 : i32
      %add3A_112 = arith.constant 0 : i32
      %add3A_113 = arith.addi %add3A_112, %mul3A_111 : i32
      %broadcast_in_dim3A_114 = arith.constant 0.000000e+00 : f32
      %broadcast_in_dim3A_115 = vector.broadcast %broadcast_in_dim3A_114 : f32 to vector<16xf32>
      %mul3A_116 = arith.constant 16 : i32
      %mul3A_117 = arith.muli %add3A_113, %mul3A_116 : i32
      %swap3A_118 = arith.index_cast %mul3A_117 : i32 to index
      %swap3A_119 = tpu.vector_load %arg10[%swap3A_118] {strides = array<i32>} : memref<50000xf32, #tpu.memory_space<vmem>>, vector<16xf32>,
      tpu.vector_store %arg10[%swap3A_118], %broadcast_in_dim3A_115 {strides = array<i32>} : memref<50000xf32, #tpu.memory_space<vmem>>, vector<16xf32>,
      %scan3A_120 = arith.constant 2 : i32
      %scan3A_121 = arith.addi %scan3A_97, %scan3A_120 : i32
      %mul3A_122 = arith.constant 1 : i32
      %mul3A_123 = arith.muli %scan3A_121, %mul3A_122 : i32
      %add3A_124 = arith.constant 0 : i32
      %add3A_125 = arith.addi %add3A_124, %mul3A_123 : i32
      %broadcast_in_dim3A_126 = arith.constant 0.000000e+00 : f32
      %broadcast_in_dim3A_127 = vector.broadcast %broadcast_in_dim3A_126 : f32 to vector<16xf32>
      %mul3A_128 = arith.constant 16 : i32
      %mul3A_129 = arith.muli %add3A_125, %mul3A_128 : i32
      %swap3A_130 = arith.index_cast %mul3A_129 : i32 to index
      %swap3A_131 = tpu.vector_load %arg10[%swap3A_130] {strides = array<i32>} : memref<50000xf32, #tpu.memory_space<vmem>>, vector<16xf32>,
      tpu.vector_store %arg10[%swap3A_130], %broadcast_in_dim3A_127 {strides = array<i32>} : memref<50000xf32, #tpu.memory_space<vmem>>, vector<16xf32>,
      %scan3A_132 = arith.constant 3 : i32
      %scan3A_133 = arith.addi %scan3A_97, %scan3A_132 : i32
      %mul3A_134 = arith.constant 1 : i32
      %mul3A_135 = arith.muli %scan3A_133, %mul3A_134 : i32
      %add3A_136 = arith.constant 0 : i32
      %add3A_137 = arith.addi %add3A_136, %mul3A_135 : i32
      %broadcast_in_dim3A_138 = arith.constant 0.000000e+00 : f32
      %broadcast_in_dim3A_139 = vector.broadcast %broadcast_in_dim3A_138 : f32 to vector<16xf32>
      %mul3A_140 = arith.constant 16 : i32
      %mul3A_141 = arith.muli %add3A_137, %mul3A_140 : i32
      %swap3A_142 = arith.index_cast %mul3A_141 : i32 to index
      %swap3A_143 = tpu.vector_load %arg10[%swap3A_142] {strides = array<i32>} : memref<50000xf32, #tpu.memory_space<vmem>>, vector<16xf32>,
      tpu.vector_store %arg10[%swap3A_142], %broadcast_in_dim3A_139 {strides = array<i32>} : memref<50000xf32, #tpu.memory_space<vmem>>, vector<16xf32>,
      %scan3A_144 = arith.constant 4 : i32
      %scan3A_145 = arith.addi %scan3A_97, %scan3A_144 : i32
      %mul3A_146 = arith.constant 1 : i32
      %mul3A_147 = arith.muli %scan3A_145, %mul3A_146 : i32
      %add3A_148 = arith.constant 0 : i32
      %add3A_149 = arith.addi %add3A_148, %mul3A_147 : i32
      %broadcast_in_dim3A_150 = arith.constant 0.000000e+00 : f32
      %broadcast_in_dim3A_151 = vector.broadcast %broadcast_in_dim3A_150 : f32 to vector<16xf32>
      %mul3A_152 = arith.constant 16 : i32
      %mul3A_153 = arith.muli %add3A_149, %mul3A_152 : i32
      %swap3A_154 = arith.index_cast %mul3A_153 : i32 to index
      %swap3A_155 = tpu.vector_load %arg10[%swap3A_154] {strides = array<i32>} : memref<50000xf32, #tpu.memory_space<vmem>>, vector<16xf32>,
      tpu.vector_store %arg10[%swap3A_154], %broadcast_in_dim3A_151 {strides = array<i32>} : memref<50000xf32, #tpu.memory_space<vmem>>, vector<16xf32>,
      %scan3A_156 = arith.constant 5 : i32
      %scan3A_157 = arith.addi %scan3A_97, %scan3A_156 : i32
      %mul3A_158 = arith.constant 1 : i32
      %mul3A_159 = arith.muli %scan3A_157, %mul3A_158 : i32
      %add3A_160 = arith.constant 0 : i32
      %add3A_161 = arith.addi %add3A_160, %mul3A_159 : i32
      %broadcast_in_dim3A_162 = arith.constant 0.000000e+00 : f32
      %broadcast_in_dim3A_163 = vector.broadcast %broadcast_in_dim3A_162 : f32 to vector<16xf32>
      %mul3A_164 = arith.constant 16 : i32
      %mul3A_165 = arith.muli %add3A_161, %mul3A_164 : i32
      %swap3A_166 = arith.index_cast %mul3A_165 : i32 to index
      %swap3A_167 = tpu.vector_load %arg10[%swap3A_166] {strides = array<i32>} : memref<50000xf32, #tpu.memory_space<vmem>>, vector<16xf32>,
      tpu.vector_store %arg10[%swap3A_166], %broadcast_in_dim3A_163 {strides = array<i32>} : memref<50000xf32, #tpu.memory_space<vmem>>, vector<16xf32>,
      %scan3A_168 = arith.constant 6 : i32
      %scan3A_169 = arith.addi %scan3A_97, %scan3A_168 : i32
      %mul3A_170 = arith.constant 1 : i32
      %mul3A_171 = arith.muli %scan3A_169, %mul3A_170 : i32
      %add3A_172 = arith.constant 0 : i32
      %add3A_173 = arith.addi %add3A_172, %mul3A_171 : i32
      %broadcast_in_dim3A_174 = arith.constant 0.000000e+00 : f32
      %broadcast_in_dim3A_175 = vector.broadcast %broadcast_in_dim3A_174 : f32 to vector<16xf32>
      %mul3A_176 = arith.constant 16 : i32
      %mul3A_177 = arith.muli %add3A_173, %mul3A_176 : i32
      %swap3A_178 = arith.index_cast %mul3A_177 : i32 to index
      %swap3A_179 = tpu.vector_load %arg10[%swap3A_178] {strides = array<i32>} : memref<50000xf32, #tpu.memory_space<vmem>>, vector<16xf32>,
      tpu.vector_store %arg10[%swap3A_178], %broadcast_in_dim3A_175 {strides = array<i32>} : memref<50000xf32, #tpu.memory_space<vmem>>, vector<16xf32>,
      %scan3A_180 = arith.constant 7 : i32
      %scan3A_181 = arith.addi %scan3A_97, %scan3A_180 : i32
      %mul3A_182 = arith.constant 1 : i32
      %mul3A_183 = arith.muli %scan3A_181, %mul3A_182 : i32
      %add3A_184 = arith.constant 0 : i32
      %add3A_185 = arith.addi %add3A_184, %mul3A_183 : i32
      %broadcast_in_dim3A_186 = arith.constant 0.000000e+00 : f32
      %broadcast_in_dim3A_187 = vector.broadcast %broadcast_in_dim3A_186 : f32 to vector<16xf32>
      %mul3A_188 = arith.constant 16 : i32
      %mul3A_189 = arith.muli %add3A_185, %mul3A_188 : i32
      %swap3A_190 = arith.index_cast %mul3A_189 : i32 to index
      %swap3A_191 = tpu.vector_load %arg10[%swap3A_190] {strides = array<i32>} : memref<50000xf32, #tpu.memory_space<vmem>>, vector<16xf32>,
      tpu.vector_store %arg10[%swap3A_190], %broadcast_in_dim3A_187 {strides = array<i32>} : memref<50000xf32, #tpu.memory_space<vmem>>, vector<16xf32>,
    }
    %scan3A_22 = arith.constant 3120 : i32
    %scan3A_23 = arith.addi %scan3A, %scan3A_22 : i32
    %mul3A_24 = arith.constant 1 : i32
    %mul3A_25 = arith.muli %scan3A_23, %mul3A_24 : i32
    %add3A_26 = arith.constant 0 : i32
    %add3A_27 = arith.addi %add3A_26, %mul3A_25 : i32
    %broadcast_in_dim3A = arith.constant 0.000000e+00 : f32
    %broadcast_in_dim3A_28 = vector.broadcast %broadcast_in_dim3A : f32 to vector<16xf32>
    %mul3A_29 = arith.constant 16 : i32
    %mul3A_30 = arith.muli %add3A_27, %mul3A_29 : i32
    %swap3A = arith.index_cast %mul3A_30 : i32 to index
    %swap3A_31 = tpu.vector_load %arg10[%swap3A] {strides = array<i32>} : memref<50000xf32, #tpu.memory_space<vmem>>, vector<16xf32>,
    tpu.vector_store %arg10[%swap3A], %broadcast_in_dim3A_28 {strides = array<i32>} : memref<50000xf32, #tpu.memory_space<vmem>>, vector<16xf32>,
    %scan3A_32 = arith.constant 3121 : i32
    %scan3A_33 = arith.addi %scan3A, %scan3A_32 : i32
    %mul3A_34 = arith.constant 1 : i32
    %mul3A_35 = arith.muli %scan3A_33, %mul3A_34 : i32
    %add3A_36 = arith.constant 0 : i32
    %add3A_37 = arith.addi %add3A_36, %mul3A_35 : i32
    %broadcast_in_dim3A_38 = arith.constant 0.000000e+00 : f32
    %broadcast_in_dim3A_39 = vector.broadcast %broadcast_in_dim3A_38 : f32 to vector<16xf32>
    %mul3A_40 = arith.constant 16 : i32
    %mul3A_41 = arith.muli %add3A_37, %mul3A_40 : i32
    %swap3A_42 = arith.index_cast %mul3A_41 : i32 to index
    %swap3A_43 = tpu.vector_load %arg10[%swap3A_42] {strides = array<i32>} : memref<50000xf32, #tpu.memory_space<vmem>>, vector<16xf32>,
    tpu.vector_store %arg10[%swap3A_42], %broadcast_in_dim3A_39 {strides = array<i32>} : memref<50000xf32, #tpu.memory_space<vmem>>, vector<16xf32>,
    %scan3A_44 = arith.constant 3122 : i32
    %scan3A_45 = arith.addi %scan3A, %scan3A_44 : i32
    %mul3A_46 = arith.constant 1 : i32
    %mul3A_47 = arith.muli %scan3A_45, %mul3A_46 : i32
    %add3A_48 = arith.constant 0 : i32
    %add3A_49 = arith.addi %add3A_48, %mul3A_47 : i32
    %broadcast_in_dim3A_50 = arith.constant 0.000000e+00 : f32
    %broadcast_in_dim3A_51 = vector.broadcast %broadcast_in_dim3A_50 : f32 to vector<16xf32>
    %mul3A_52 = arith.constant 16 : i32
    %mul3A_53 = arith.muli %add3A_49, %mul3A_52 : i32
    %swap3A_54 = arith.index_cast %mul3A_53 : i32 to index
    %swap3A_55 = tpu.vector_load %arg10[%swap3A_54] {strides = array<i32>} : memref<50000xf32, #tpu.memory_space<vmem>>, vector<16xf32>,
    tpu.vector_store %arg10[%swap3A_54], %broadcast_in_dim3A_51 {strides = array<i32>} : memref<50000xf32, #tpu.memory_space<vmem>>, vector<16xf32>,
    %scan3A_56 = arith.constant 3123 : i32
    %scan3A_57 = arith.addi %scan3A, %scan3A_56 : i32
    %mul3A_58 = arith.constant 1 : i32
    %mul3A_59 = arith.muli %scan3A_57, %mul3A_58 : i32
    %add3A_60 = arith.constant 0 : i32
    %add3A_61 = arith.addi %add3A_60, %mul3A_59 : i32
    %broadcast_in_dim3A_62 = arith.constant 0.000000e+00 : f32
    %broadcast_in_dim3A_63 = vector.broadcast %broadcast_in_dim3A_62 : f32 to vector<16xf32>
    %mul3A_64 = arith.constant 16 : i32
    %mul3A_65 = arith.muli %add3A_61, %mul3A_64 : i32
    %swap3A_66 = arith.index_cast %mul3A_65 : i32 to index
    %swap3A_67 = tpu.vector_load %arg10[%swap3A_66] {strides = array<i32>} : memref<50000xf32, #tpu.memory_space<vmem>>, vector<16xf32>,
    tpu.vector_store %arg10[%swap3A_66], %broadcast_in_dim3A_63 {strides = array<i32>} : memref<50000xf32, #tpu.memory_space<vmem>>, vector<16xf32>,
    %scan3A_68 = arith.constant 3124 : i32
    %scan3A_69 = arith.addi %scan3A, %scan3A_68 : i32
    %mul3A_70 = arith.constant 1 : i32
    %mul3A_71 = arith.muli %scan3A_69, %mul3A_70 : i32
    %add3A_72 = arith.constant 0 : i32
    %add3A_73 = arith.addi %add3A_72, %mul3A_71 : i32
    %broadcast_in_dim3A_74 = arith.constant 0.000000e+00 : f32
    %broadcast_in_dim3A_75 = vector.broadcast %broadcast_in_dim3A_74 : f32 to vector<16xf32>
    %mul3A_76 = arith.constant 16 : i32
    %mul3A_77 = arith.muli %add3A_73, %mul3A_76 : i32
    %swap3A_78 = arith.index_cast %mul3A_77 : i32 to index
    %swap3A_79 = tpu.vector_load %arg10[%swap3A_78] {strides = array<i32>} : memref<50000xf32, #tpu.memory_space<vmem>>, vector<16xf32>,
    tpu.vector_store %arg10[%swap3A_78], %broadcast_in_dim3A_75 {strides = array<i32>} : memref<50000xf32, #tpu.memory_space<vmem>>, vector<16xf32>,
    %scan3A_80 = arith.constant 3125 : i32
    "tpu.region"() ({
      %run_scoped3A = tpu.sem_alloc : memref<!tpu.dma_semaphore, #tpu.memory_space<semaphore_mem>>
      %dma_start3A_97 = arith.constant 0 : i32
      %dma_start3A_98 = tpu.memref_slice %arg3[%select_n3A, %dma_start3A_97] : memref<4x50000xf32, #tpu.memory_space<hbm>> -> memref<1x50000xf32, #tpu.memory_space<hbm>>
      %dma_start3A_99 = tpu.memref_squeeze %dma_start3A_98 : memref<1x50000xf32, #tpu.memory_space<hbm>> -> memref<50000xf32, #tpu.memory_space<hbm>>
      %dma_start3A_100 = arith.constant 0 : i32
      %dma_start3A_101 = tpu.memref_slice %arg3[%select_n3A, %dma_start3A_100] : memref<4x50000xf32, #tpu.memory_space<hbm>> -> memref<1x50000xf32, #tpu.memory_space<hbm>>
      %dma_start3A_102 = tpu.memref_squeeze %dma_start3A_101 : memref<1x50000xf32, #tpu.memory_space<hbm>> -> memref<50000xf32, #tpu.memory_space<hbm>>
      tpu.enqueue_dma source(%dma_start3A_102 : memref<50000xf32, #tpu.memory_space<hbm>>) target(%arg9 : memref<50000xf32, #tpu.memory_space<vmem>>) target_semaphore(%run_scoped3A : memref<!tpu.dma_semaphore, #tpu.memory_space<semaphore_mem>>)
      %dma_wait3A = arith.constant 0 : i32
      %dma_wait3A_103 = tpu.memref_slice %arg3[%select_n3A, %dma_wait3A] : memref<4x50000xf32, #tpu.memory_space<hbm>> -> memref<1x50000xf32, #tpu.memory_space<hbm>>
      %dma_wait3A_104 = tpu.memref_squeeze %dma_wait3A_103 : memref<1x50000xf32, #tpu.memory_space<hbm>> -> memref<50000xf32, #tpu.memory_space<hbm>>
      %dma_wait3A_105 = arith.constant 0 : i32
      %dma_wait3A_106 = tpu.memref_slice %arg3[%select_n3A, %dma_wait3A_105] : memref<4x50000xf32, #tpu.memory_space<hbm>> -> memref<1x50000xf32, #tpu.memory_space<hbm>>
      %dma_wait3A_107 = tpu.memref_squeeze %dma_wait3A_106 : memref<1x50000xf32, #tpu.memory_space<hbm>> -> memref<50000xf32, #tpu.memory_space<hbm>>
      tpu.wait_dma2 semaphore(%run_scoped3A : memref<!tpu.dma_semaphore, #tpu.memory_space<semaphore_mem>>) src(%dma_wait3A_107 : memref<50000xf32, #tpu.memory_space<hbm>>) dst(%arg9 : memref<50000xf32, #tpu.memory_space<vmem>>)
      tpu.yield
    }) : () -> ()
    %mul3A_81 = arith.constant 200000 : i32
    %mul3A_82 = arith.muli %rem3A_18, %mul3A_81 : i32
    %add3A_83 = arith.constant 0 : i32
    %add3A_84 = arith.addi %mul3A_82, %add3A_83 : i32
    %dma_start3A = tpu.memref_slice %arg2[%add3A_84] : memref<3200000xi32, #tpu.memory_space<hbm>> -> memref<4000xi32, #tpu.memory_space<hbm>>
    %dma_start3A_85 = tpu.memref_slice %arg2[%add3A_84] : memref<3200000xi32, #tpu.memory_space<hbm>> -> memref<4000xi32, #tpu.memory_space<hbm>>
    tpu.enqueue_dma source(%dma_start3A_85 : memref<4000xi32, #tpu.memory_space<hbm>>) target(%arg5 : memref<4000xi32, #tpu.memory_space<vmem>>) target_semaphore(%arg11 : memref<!tpu.dma_semaphore, #tpu.memory_space<semaphore_mem>>)
    %add3A_86 = arith.constant 1600000 : i32
    %add3A_87 = arith.addi %add3A_86, %mul3A_82 : i32
    %add3A_88 = arith.constant 0 : i32
    %add3A_89 = arith.addi %add3A_87, %add3A_88 : i32
    %dma_start3A_90 = tpu.memref_slice %arg2[%add3A_89] : memref<3200000xi32, #tpu.memory_space<hbm>> -> memref<4000xi32, #tpu.memory_space<hbm>>
    %dma_start3A_91 = tpu.memref_slice %arg2[%add3A_89] : memref<3200000xi32, #tpu.memory_space<hbm>> -> memref<4000xi32, #tpu.memory_space<hbm>>
    tpu.enqueue_dma source(%dma_start3A_91 : memref<4000xi32, #tpu.memory_space<hbm>>) target(%arg7 : memref<4000xi32, #tpu.memory_space<vmem>>) target_semaphore(%arg11 : memref<!tpu.dma_semaphore, #tpu.memory_space<semaphore_mem>>)
    %scan3A_92 = arith.constant 0 : i32
    %scan3A_93 = arith.constant 25 : i32
    %scan3A_94 = arith.addi %scan3A_92, %scan3A_93 : i32
    %scan3A_95 = arith.constant 1 : i32
    scf.for %scan3A_97 = %scan3A_92 to %scan3A_94 step %scan3A_95  : i32 {
      %mul3A_98 = arith.constant 1 : i32
      %mul3A_99 = arith.muli %scan3A_97, %mul3A_98 : i32
      %add3A_100 = arith.constant 0 : i32
      %add3A_101 = arith.addi %add3A_100, %mul3A_99 : i32
      %mul3A_102 = arith.constant 2 : i32
      %mul3A_103 = arith.muli %mul3A_102, %add3A_101 : i32
      %add3A_104 = arith.constant 1 : i32
      %add3A_105 = arith.addi %mul3A_103, %add3A_104 : i32
      %mul3A_106 = arith.constant 4000 : i32
      %mul3A_107 = arith.muli %add3A_105, %mul3A_106 : i32
      %add3A_108 = arith.addi %mul3A_82, %mul3A_107 : i32
      %dma_start3A_109 = tpu.memref_slice %arg2[%add3A_108] : memref<3200000xi32, #tpu.memory_space<hbm>> -> memref<4000xi32, #tpu.memory_space<hbm>>
      %dma_start3A_110 = tpu.memref_slice %arg2[%add3A_108] : memref<3200000xi32, #tpu.memory_space<hbm>> -> memref<4000xi32, #tpu.memory_space<hbm>>
      tpu.enqueue_dma source(%dma_start3A_110 : memref<4000xi32, #tpu.memory_space<hbm>>) target(%arg6 : memref<4000xi32, #tpu.memory_space<vmem>>) target_semaphore(%arg12 : memref<!tpu.dma_semaphore, #tpu.memory_space<semaphore_mem>>)
      %add3A_111 = arith.constant 1600000 : i32
      %add3A_112 = arith.addi %add3A_111, %mul3A_82 : i32
      %mul3A_113 = arith.constant 4000 : i32
      %mul3A_114 = arith.muli %add3A_105, %mul3A_113 : i32
      %add3A_115 = arith.addi %add3A_112, %mul3A_114 : i32
      %dma_start3A_116 = tpu.memref_slice %arg2[%add3A_115] : memref<3200000xi32, #tpu.memory_space<hbm>> -> memref<4000xi32, #tpu.memory_space<hbm>>
      %dma_start3A_117 = tpu.memref_slice %arg2[%add3A_115] : memref<3200000xi32, #tpu.memory_space<hbm>> -> memref<4000xi32, #tpu.memory_space<hbm>>
      tpu.enqueue_dma source(%dma_start3A_117 : memref<4000xi32, #tpu.memory_space<hbm>>) target(%arg8 : memref<4000xi32, #tpu.memory_space<vmem>>) target_semaphore(%arg12 : memref<!tpu.dma_semaphore, #tpu.memory_space<semaphore_mem>>)
      %dma_wait3A = tpu.memref_slice %arg2[%mul3A_82] : memref<3200000xi32, #tpu.memory_space<hbm>> -> memref<4000xi32, #tpu.memory_space<hbm>>
      %dma_wait3A_118 = tpu.memref_slice %arg2[%mul3A_82] : memref<3200000xi32, #tpu.memory_space<hbm>> -> memref<4000xi32, #tpu.memory_space<hbm>>
      tpu.wait_dma2 semaphore(%arg11 : memref<!tpu.dma_semaphore, #tpu.memory_space<semaphore_mem>>) src(%dma_wait3A_118 : memref<4000xi32, #tpu.memory_space<hbm>>) dst(%arg5 : memref<4000xi32, #tpu.memory_space<vmem>>)
      %add3A_119 = arith.constant 1600000 : i32
      %add3A_120 = arith.addi %add3A_119, %mul3A_82 : i32
      %dma_wait3A_121 = tpu.memref_slice %arg2[%add3A_120] : memref<3200000xi32, #tpu.memory_space<hbm>> -> memref<4000xi32, #tpu.memory_space<hbm>>
      %dma_wait3A_122 = tpu.memref_slice %arg2[%add3A_120] : memref<3200000xi32, #tpu.memory_space<hbm>> -> memref<4000xi32, #tpu.memory_space<hbm>>
      tpu.wait_dma2 semaphore(%arg11 : memref<!tpu.dma_semaphore, #tpu.memory_space<semaphore_mem>>) src(%dma_wait3A_122 : memref<4000xi32, #tpu.memory_space<hbm>>) dst(%arg7 : memref<4000xi32, #tpu.memory_space<vmem>>)
      %scan3A_123 = arith.constant 0 : i32
      %scan3A_124 = arith.constant 25 : i32
      %scan3A_125 = arith.addi %scan3A_123, %scan3A_124 : i32
      %scan3A_126 = arith.constant 1 : i32
      scf.for %scan3A_143 = %scan3A_123 to %scan3A_125 step %scan3A_126  : i32 {
        %mul3A_144 = arith.constant 1 : i32
        %mul3A_145 = arith.muli %scan3A_143, %mul3A_144 : i32
        %add3A_146 = arith.constant 0 : i32
        %add3A_147 = arith.addi %add3A_146, %mul3A_145 : i32
        %mul3A_148 = arith.constant 160 : i32
        %mul3A_149 = arith.muli %add3A_147, %mul3A_148 : i32
        %add3A_150 = arith.constant 0 : i32
        %add3A_151 = arith.addi %mul3A_149, %add3A_150 : i32
        %get3A = arith.index_cast %add3A_151 : i32 to index
        %get3A_152 = tpu.vector_load %arg5[%get3A] {strides = array<i32>} : memref<4000xi32, #tpu.memory_space<vmem>>, vector<16xi32>,
        %add3A_153 = arith.constant 16 : i32
        %add3A_154 = arith.addi %mul3A_149, %add3A_153 : i32
        %get3A_155 = arith.index_cast %add3A_154 : i32 to index
        %get3A_156 = tpu.vector_load %arg5[%get3A_155] {strides = array<i32>} : memref<4000xi32, #tpu.memory_space<vmem>>, vector<16xi32>,
        %add3A_157 = arith.constant 32 : i32
        %add3A_158 = arith.addi %mul3A_149, %add3A_157 : i32
        %get3A_159 = arith.index_cast %add3A_158 : i32 to index
        %get3A_160 = tpu.vector_load %arg5[%get3A_159] {strides = array<i32>} : memref<4000xi32, #tpu.memory_space<vmem>>, vector<16xi32>,
        %add3A_161 = arith.constant 48 : i32
        %add3A_162 = arith.addi %mul3A_149, %add3A_161 : i32
        %get3A_163 = arith.index_cast %add3A_162 : i32 to index
        %get3A_164 = tpu.vector_load %arg5[%get3A_163] {strides = array<i32>} : memref<4000xi32, #tpu.memory_space<vmem>>, vector<16xi32>,
        %add3A_165 = arith.constant 64 : i32
        %add3A_166 = arith.addi %mul3A_149, %add3A_165 : i32
        %get3A_167 = arith.index_cast %add3A_166 : i32 to index
        %get3A_168 = tpu.vector_load %arg5[%get3A_167] {strides = array<i32>} : memref<4000xi32, #tpu.memory_space<vmem>>, vector<16xi32>,
        %add3A_169 = arith.constant 80 : i32
        %add3A_170 = arith.addi %mul3A_149, %add3A_169 : i32
        %get3A_171 = arith.index_cast %add3A_170 : i32 to index
        %get3A_172 = tpu.vector_load %arg5[%get3A_171] {strides = array<i32>} : memref<4000xi32, #tpu.memory_space<vmem>>, vector<16xi32>,
        %add3A_173 = arith.constant 96 : i32
        %add3A_174 = arith.addi %mul3A_149, %add3A_173 : i32
        %get3A_175 = arith.index_cast %add3A_174 : i32 to index
        %get3A_176 = tpu.vector_load %arg5[%get3A_175] {strides = array<i32>} : memref<4000xi32, #tpu.memory_space<vmem>>, vector<16xi32>,
        %add3A_177 = arith.constant 112 : i32
        %add3A_178 = arith.addi %mul3A_149, %add3A_177 : i32
        %get3A_179 = arith.index_cast %add3A_178 : i32 to index
        %get3A_180 = tpu.vector_load %arg5[%get3A_179] {strides = array<i32>} : memref<4000xi32, #tpu.memory_space<vmem>>, vector<16xi32>,
        %add3A_181 = arith.constant 128 : i32
        %add3A_182 = arith.addi %mul3A_149, %add3A_181 : i32
        %get3A_183 = arith.index_cast %add3A_182 : i32 to index
        %get3A_184 = tpu.vector_load %arg5[%get3A_183] {strides = array<i32>} : memref<4000xi32, #tpu.memory_space<vmem>>, vector<16xi32>,
        %add3A_185 = arith.constant 144 : i32
        %add3A_186 = arith.addi %mul3A_149, %add3A_185 : i32
        %get3A_187 = arith.index_cast %add3A_186 : i32 to index
        %get3A_188 = tpu.vector_load %arg5[%get3A_187] {strides = array<i32>} : memref<4000xi32, #tpu.memory_space<vmem>>, vector<16xi32>,
        %add3A_189 = arith.constant 0 : i32
        %add3A_190 = arith.addi %mul3A_149, %add3A_189 : i32
        %get3A_191 = arith.index_cast %add3A_190 : i32 to index
        %get3A_192 = tpu.vector_load %arg7[%get3A_191] {strides = array<i32>} : memref<4000xi32, #tpu.memory_space<vmem>>, vector<16xi32>,
        %add3A_193 = arith.constant 16 : i32
        %add3A_194 = arith.addi %mul3A_149, %add3A_193 : i32
        %get3A_195 = arith.index_cast %add3A_194 : i32 to index
        %get3A_196 = tpu.vector_load %arg7[%get3A_195] {strides = array<i32>} : memref<4000xi32, #tpu.memory_space<vmem>>, vector<16xi32>,
        %add3A_197 = arith.constant 32 : i32
        %add3A_198 = arith.addi %mul3A_149, %add3A_197 : i32
        %get3A_199 = arith.index_cast %add3A_198 : i32 to index
        %get3A_200 = tpu.vector_load %arg7[%get3A_199] {strides = array<i32>} : memref<4000xi32, #tpu.memory_space<vmem>>, vector<16xi32>,
        %add3A_201 = arith.constant 48 : i32
        %add3A_202 = arith.addi %mul3A_149, %add3A_201 : i32
        %get3A_203 = arith.index_cast %add3A_202 : i32 to index
        %get3A_204 = tpu.vector_load %arg7[%get3A_203] {strides = array<i32>} : memref<4000xi32, #tpu.memory_space<vmem>>, vector<16xi32>,
        %add3A_205 = arith.constant 64 : i32
        %add3A_206 = arith.addi %mul3A_149, %add3A_205 : i32
        %get3A_207 = arith.index_cast %add3A_206 : i32 to index
        %get3A_208 = tpu.vector_load %arg7[%get3A_207] {strides = array<i32>} : memref<4000xi32, #tpu.memory_space<vmem>>, vector<16xi32>,
        %add3A_209 = arith.constant 80 : i32
        %add3A_210 = arith.addi %mul3A_149, %add3A_209 : i32
        %get3A_211 = arith.index_cast %add3A_210 : i32 to index
        %get3A_212 = tpu.vector_load %arg7[%get3A_211] {strides = array<i32>} : memref<4000xi32, #tpu.memory_space<vmem>>, vector<16xi32>,
        %add3A_213 = arith.constant 96 : i32
        %add3A_214 = arith.addi %mul3A_149, %add3A_213 : i32
        %get3A_215 = arith.index_cast %add3A_214 : i32 to index
        %get3A_216 = tpu.vector_load %arg7[%get3A_215] {strides = array<i32>} : memref<4000xi32, #tpu.memory_space<vmem>>, vector<16xi32>,
        %add3A_217 = arith.constant 112 : i32
        %add3A_218 = arith.addi %mul3A_149, %add3A_217 : i32
        %get3A_219 = arith.index_cast %add3A_218 : i32 to index
        %get3A_220 = tpu.vector_load %arg7[%get3A_219] {strides = array<i32>} : memref<4000xi32, #tpu.memory_space<vmem>>, vector<16xi32>,
        %add3A_221 = arith.constant 128 : i32
        %add3A_222 = arith.addi %mul3A_149, %add3A_221 : i32
        %get3A_223 = arith.index_cast %add3A_222 : i32 to index
        %get3A_224 = tpu.vector_load %arg7[%get3A_223] {strides = array<i32>} : memref<4000xi32, #tpu.memory_space<vmem>>, vector<16xi32>,
        %add3A_225 = arith.constant 144 : i32
        %add3A_226 = arith.addi %mul3A_149, %add3A_225 : i32
        %get3A_227 = arith.index_cast %add3A_226 : i32 to index
        %get3A_228 = tpu.vector_load %arg7[%get3A_227] {strides = array<i32>} : memref<4000xi32, #tpu.memory_space<vmem>>, vector<16xi32>,
        %gather3A = tpu.vector_load_idx %arg9[%get3A_152] : memref<50000xf32, #tpu.memory_space<vmem>>[vector<16xi32>], vector<16xf32>,
        %gather3A_229 = tpu.vector_load_idx %arg9[%get3A_156] : memref<50000xf32, #tpu.memory_space<vmem>>[vector<16xi32>], vector<16xf32>,
        %gather3A_230 = tpu.vector_load_idx %arg9[%get3A_160] : memref<50000xf32, #tpu.memory_space<vmem>>[vector<16xi32>], vector<16xf32>,
        tpu.vector_store_idx %arg10[%get3A_192], %gather3A {add = true} : memref<50000xf32, #tpu.memory_space<vmem>>[vector<16xi32>], vector<16xf32>,
        %gather3A_231 = tpu.vector_load_idx %arg9[%get3A_164] : memref<50000xf32, #tpu.memory_space<vmem>>[vector<16xi32>], vector<16xf32>,
        tpu.vector_store_idx %arg10[%get3A_196], %gather3A_229 {add = true} : memref<50000xf32, #tpu.memory_space<vmem>>[vector<16xi32>], vector<16xf32>,
        %gather3A_232 = tpu.vector_load_idx %arg9[%get3A_168] : memref<50000xf32, #tpu.memory_space<vmem>>[vector<16xi32>], vector<16xf32>,
        tpu.vector_store_idx %arg10[%get3A_200], %gather3A_230 {add = true} : memref<50000xf32, #tpu.memory_space<vmem>>[vector<16xi32>], vector<16xf32>,
        %gather3A_233 = tpu.vector_load_idx %arg9[%get3A_172] : memref<50000xf32, #tpu.memory_space<vmem>>[vector<16xi32>], vector<16xf32>,
        tpu.vector_store_idx %arg10[%get3A_204], %gather3A_231 {add = true} : memref<50000xf32, #tpu.memory_space<vmem>>[vector<16xi32>], vector<16xf32>,
        %gather3A_234 = tpu.vector_load_idx %arg9[%get3A_176] : memref<50000xf32, #tpu.memory_space<vmem>>[vector<16xi32>], vector<16xf32>,
        tpu.vector_store_idx %arg10[%get3A_208], %gather3A_232 {add = true} : memref<50000xf32, #tpu.memory_space<vmem>>[vector<16xi32>], vector<16xf32>,
        %gather3A_235 = tpu.vector_load_idx %arg9[%get3A_180] : memref<50000xf32, #tpu.memory_space<vmem>>[vector<16xi32>], vector<16xf32>,
        tpu.vector_store_idx %arg10[%get3A_212], %gather3A_233 {add = true} : memref<50000xf32, #tpu.memory_space<vmem>>[vector<16xi32>], vector<16xf32>,
        %gather3A_236 = tpu.vector_load_idx %arg9[%get3A_184] : memref<50000xf32, #tpu.memory_space<vmem>>[vector<16xi32>], vector<16xf32>,
        tpu.vector_store_idx %arg10[%get3A_216], %gather3A_234 {add = true} : memref<50000xf32, #tpu.memory_space<vmem>>[vector<16xi32>], vector<16xf32>,
        %gather3A_237 = tpu.vector_load_idx %arg9[%get3A_188] : memref<50000xf32, #tpu.memory_space<vmem>>[vector<16xi32>], vector<16xf32>,
        tpu.vector_store_idx %arg10[%get3A_220], %gather3A_235 {add = true} : memref<50000xf32, #tpu.memory_space<vmem>>[vector<16xi32>], vector<16xf32>,
        tpu.vector_store_idx %arg10[%get3A_224], %gather3A_236 {add = true} : memref<50000xf32, #tpu.memory_space<vmem>>[vector<16xi32>], vector<16xf32>,
        tpu.vector_store_idx %arg10[%get3A_228], %gather3A_237 {add = true} : memref<50000xf32, #tpu.memory_space<vmem>>[vector<16xi32>], vector<16xf32>,
      }
      %scan3A_127 = arith.constant 25 : i32
      %add3A_128 = arith.constant 2 : i32
      %add3A_129 = arith.addi %mul3A_103, %add3A_128 : i32
      %lt3A = arith.constant 50 : i32
      %lt3A_130 = arith.cmpi slt, %add3A_129, %lt3A : i32
      %convert_element_type3A = arith.extui %lt3A_130 : i1 to i32
      %cond3A = arith.constant 0 : i32
      %cond3A_131 = arith.cmpi ne, %convert_element_type3A, %cond3A : i32
      scf.if %cond3A_131 {
        %add3A_143 = arith.constant 2 : i32
        %add3A_144 = arith.addi %mul3A_103, %add3A_143 : i32
        %mul3A_145 = arith.constant 4000 : i32
        %mul3A_146 = arith.muli %add3A_144, %mul3A_145 : i32
        %add3A_147 = arith.addi %mul3A_82, %mul3A_146 : i32
        %dma_start3A_148 = tpu.memref_slice %arg2[%add3A_147] : memref<3200000xi32, #tpu.memory_space<hbm>> -> memref<4000xi32, #tpu.memory_space<hbm>>
        %dma_start3A_149 = tpu.memref_slice %arg2[%add3A_147] : memref<3200000xi32, #tpu.memory_space<hbm>> -> memref<4000xi32, #tpu.memory_space<hbm>>
        tpu.enqueue_dma source(%dma_start3A_149 : memref<4000xi32, #tpu.memory_space<hbm>>) target(%arg5 : memref<4000xi32, #tpu.memory_space<vmem>>) target_semaphore(%arg11 : memref<!tpu.dma_semaphore, #tpu.memory_space<semaphore_mem>>)
        %add3A_150 = arith.constant 1600000 : i32
        %add3A_151 = arith.addi %add3A_150, %mul3A_82 : i32
        %mul3A_152 = arith.constant 4000 : i32
        %mul3A_153 = arith.muli %add3A_144, %mul3A_152 : i32
        %add3A_154 = arith.addi %add3A_151, %mul3A_153 : i32
        %dma_start3A_155 = tpu.memref_slice %arg2[%add3A_154] : memref<3200000xi32, #tpu.memory_space<hbm>> -> memref<4000xi32, #tpu.memory_space<hbm>>
        %dma_start3A_156 = tpu.memref_slice %arg2[%add3A_154] : memref<3200000xi32, #tpu.memory_space<hbm>> -> memref<4000xi32, #tpu.memory_space<hbm>>
        tpu.enqueue_dma source(%dma_start3A_156 : memref<4000xi32, #tpu.memory_space<hbm>>) target(%arg7 : memref<4000xi32, #tpu.memory_space<vmem>>) target_semaphore(%arg11 : memref<!tpu.dma_semaphore, #tpu.memory_space<semaphore_mem>>)
      } else {
      }
      %dma_wait3A_132 = tpu.memref_slice %arg2[%mul3A_82] : memref<3200000xi32, #tpu.memory_space<hbm>> -> memref<4000xi32, #tpu.memory_space<hbm>>
      %dma_wait3A_133 = tpu.memref_slice %arg2[%mul3A_82] : memref<3200000xi32, #tpu.memory_space<hbm>> -> memref<4000xi32, #tpu.memory_space<hbm>>
      tpu.wait_dma2 semaphore(%arg12 : memref<!tpu.dma_semaphore, #tpu.memory_space<semaphore_mem>>) src(%dma_wait3A_133 : memref<4000xi32, #tpu.memory_space<hbm>>) dst(%arg6 : memref<4000xi32, #tpu.memory_space<vmem>>)
      %add3A_134 = arith.constant 1600000 : i32
      %add3A_135 = arith.addi %add3A_134, %mul3A_82 : i32
      %dma_wait3A_136 = tpu.memref_slice %arg2[%add3A_135] : memref<3200000xi32, #tpu.memory_space<hbm>> -> memref<4000xi32, #tpu.memory_space<hbm>>
      %dma_wait3A_137 = tpu.memref_slice %arg2[%add3A_135] : memref<3200000xi32, #tpu.memory_space<hbm>> -> memref<4000xi32, #tpu.memory_space<hbm>>
      tpu.wait_dma2 semaphore(%arg12 : memref<!tpu.dma_semaphore, #tpu.memory_space<semaphore_mem>>) src(%dma_wait3A_137 : memref<4000xi32, #tpu.memory_space<hbm>>) dst(%arg8 : memref<4000xi32, #tpu.memory_space<vmem>>)
      %scan3A_138 = arith.constant 0 : i32
      %scan3A_139 = arith.constant 25 : i32
      %scan3A_140 = arith.addi %scan3A_138, %scan3A_139 : i32
      %scan3A_141 = arith.constant 1 : i32
      scf.for %scan3A_143 = %scan3A_138 to %scan3A_140 step %scan3A_141  : i32 {
        %mul3A_144 = arith.constant 1 : i32
        %mul3A_145 = arith.muli %scan3A_143, %mul3A_144 : i32
        %add3A_146 = arith.constant 0 : i32
        %add3A_147 = arith.addi %add3A_146, %mul3A_145 : i32
        %mul3A_148 = arith.constant 160 : i32
        %mul3A_149 = arith.muli %add3A_147, %mul3A_148 : i32
        %add3A_150 = arith.constant 0 : i32
        %add3A_151 = arith.addi %mul3A_149, %add3A_150 : i32
        %get3A = arith.index_cast %add3A_151 : i32 to index
        %get3A_152 = tpu.vector_load %arg6[%get3A] {strides = array<i32>} : memref<4000xi32, #tpu.memory_space<vmem>>, vector<16xi32>,
        %add3A_153 = arith.constant 16 : i32
        %add3A_154 = arith.addi %mul3A_149, %add3A_153 : i32
        %get3A_155 = arith.index_cast %add3A_154 : i32 to index
        %get3A_156 = tpu.vector_load %arg6[%get3A_155] {strides = array<i32>} : memref<4000xi32, #tpu.memory_space<vmem>>, vector<16xi32>,
        %add3A_157 = arith.constant 32 : i32
        %add3A_158 = arith.addi %mul3A_149, %add3A_157 : i32
        %get3A_159 = arith.index_cast %add3A_158 : i32 to index
        %get3A_160 = tpu.vector_load %arg6[%get3A_159] {strides = array<i32>} : memref<4000xi32, #tpu.memory_space<vmem>>, vector<16xi32>,
        %add3A_161 = arith.constant 48 : i32
        %add3A_162 = arith.addi %mul3A_149, %add3A_161 : i32
        %get3A_163 = arith.index_cast %add3A_162 : i32 to index
        %get3A_164 = tpu.vector_load %arg6[%get3A_163] {strides = array<i32>} : memref<4000xi32, #tpu.memory_space<vmem>>, vector<16xi32>,
        %add3A_165 = arith.constant 64 : i32
        %add3A_166 = arith.addi %mul3A_149, %add3A_165 : i32
        %get3A_167 = arith.index_cast %add3A_166 : i32 to index
        %get3A_168 = tpu.vector_load %arg6[%get3A_167] {strides = array<i32>} : memref<4000xi32, #tpu.memory_space<vmem>>, vector<16xi32>,
        %add3A_169 = arith.constant 80 : i32
        %add3A_170 = arith.addi %mul3A_149, %add3A_169 : i32
        %get3A_171 = arith.index_cast %add3A_170 : i32 to index
        %get3A_172 = tpu.vector_load %arg6[%get3A_171] {strides = array<i32>} : memref<4000xi32, #tpu.memory_space<vmem>>, vector<16xi32>,
        %add3A_173 = arith.constant 96 : i32
        %add3A_174 = arith.addi %mul3A_149, %add3A_173 : i32
        %get3A_175 = arith.index_cast %add3A_174 : i32 to index
        %get3A_176 = tpu.vector_load %arg6[%get3A_175] {strides = array<i32>} : memref<4000xi32, #tpu.memory_space<vmem>>, vector<16xi32>,
        %add3A_177 = arith.constant 112 : i32
        %add3A_178 = arith.addi %mul3A_149, %add3A_177 : i32
        %get3A_179 = arith.index_cast %add3A_178 : i32 to index
        %get3A_180 = tpu.vector_load %arg6[%get3A_179] {strides = array<i32>} : memref<4000xi32, #tpu.memory_space<vmem>>, vector<16xi32>,
        %add3A_181 = arith.constant 128 : i32
        %add3A_182 = arith.addi %mul3A_149, %add3A_181 : i32
        %get3A_183 = arith.index_cast %add3A_182 : i32 to index
        %get3A_184 = tpu.vector_load %arg6[%get3A_183] {strides = array<i32>} : memref<4000xi32, #tpu.memory_space<vmem>>, vector<16xi32>,
        %add3A_185 = arith.constant 144 : i32
        %add3A_186 = arith.addi %mul3A_149, %add3A_185 : i32
        %get3A_187 = arith.index_cast %add3A_186 : i32 to index
        %get3A_188 = tpu.vector_load %arg6[%get3A_187] {strides = array<i32>} : memref<4000xi32, #tpu.memory_space<vmem>>, vector<16xi32>,
        %add3A_189 = arith.constant 0 : i32
        %add3A_190 = arith.addi %mul3A_149, %add3A_189 : i32
        %get3A_191 = arith.index_cast %add3A_190 : i32 to index
        %get3A_192 = tpu.vector_load %arg8[%get3A_191] {strides = array<i32>} : memref<4000xi32, #tpu.memory_space<vmem>>, vector<16xi32>,
        %add3A_193 = arith.constant 16 : i32
        %add3A_194 = arith.addi %mul3A_149, %add3A_193 : i32
        %get3A_195 = arith.index_cast %add3A_194 : i32 to index
        %get3A_196 = tpu.vector_load %arg8[%get3A_195] {strides = array<i32>} : memref<4000xi32, #tpu.memory_space<vmem>>, vector<16xi32>,
        %add3A_197 = arith.constant 32 : i32
        %add3A_198 = arith.addi %mul3A_149, %add3A_197 : i32
        %get3A_199 = arith.index_cast %add3A_198 : i32 to index
        %get3A_200 = tpu.vector_load %arg8[%get3A_199] {strides = array<i32>} : memref<4000xi32, #tpu.memory_space<vmem>>, vector<16xi32>,
        %add3A_201 = arith.constant 48 : i32
        %add3A_202 = arith.addi %mul3A_149, %add3A_201 : i32
        %get3A_203 = arith.index_cast %add3A_202 : i32 to index
        %get3A_204 = tpu.vector_load %arg8[%get3A_203] {strides = array<i32>} : memref<4000xi32, #tpu.memory_space<vmem>>, vector<16xi32>,
        %add3A_205 = arith.constant 64 : i32
        %add3A_206 = arith.addi %mul3A_149, %add3A_205 : i32
        %get3A_207 = arith.index_cast %add3A_206 : i32 to index
        %get3A_208 = tpu.vector_load %arg8[%get3A_207] {strides = array<i32>} : memref<4000xi32, #tpu.memory_space<vmem>>, vector<16xi32>,
        %add3A_209 = arith.constant 80 : i32
        %add3A_210 = arith.addi %mul3A_149, %add3A_209 : i32
        %get3A_211 = arith.index_cast %add3A_210 : i32 to index
        %get3A_212 = tpu.vector_load %arg8[%get3A_211] {strides = array<i32>} : memref<4000xi32, #tpu.memory_space<vmem>>, vector<16xi32>,
        %add3A_213 = arith.constant 96 : i32
        %add3A_214 = arith.addi %mul3A_149, %add3A_213 : i32
        %get3A_215 = arith.index_cast %add3A_214 : i32 to index
        %get3A_216 = tpu.vector_load %arg8[%get3A_215] {strides = array<i32>} : memref<4000xi32, #tpu.memory_space<vmem>>, vector<16xi32>,
        %add3A_217 = arith.constant 112 : i32
        %add3A_218 = arith.addi %mul3A_149, %add3A_217 : i32
        %get3A_219 = arith.index_cast %add3A_218 : i32 to index
        %get3A_220 = tpu.vector_load %arg8[%get3A_219] {strides = array<i32>} : memref<4000xi32, #tpu.memory_space<vmem>>, vector<16xi32>,
        %add3A_221 = arith.constant 128 : i32
        %add3A_222 = arith.addi %mul3A_149, %add3A_221 : i32
        %get3A_223 = arith.index_cast %add3A_222 : i32 to index
        %get3A_224 = tpu.vector_load %arg8[%get3A_223] {strides = array<i32>} : memref<4000xi32, #tpu.memory_space<vmem>>, vector<16xi32>,
        %add3A_225 = arith.constant 144 : i32
        %add3A_226 = arith.addi %mul3A_149, %add3A_225 : i32
        %get3A_227 = arith.index_cast %add3A_226 : i32 to index
        %get3A_228 = tpu.vector_load %arg8[%get3A_227] {strides = array<i32>} : memref<4000xi32, #tpu.memory_space<vmem>>, vector<16xi32>,
        %gather3A = tpu.vector_load_idx %arg9[%get3A_152] : memref<50000xf32, #tpu.memory_space<vmem>>[vector<16xi32>], vector<16xf32>,
        %gather3A_229 = tpu.vector_load_idx %arg9[%get3A_156] : memref<50000xf32, #tpu.memory_space<vmem>>[vector<16xi32>], vector<16xf32>,
        %gather3A_230 = tpu.vector_load_idx %arg9[%get3A_160] : memref<50000xf32, #tpu.memory_space<vmem>>[vector<16xi32>], vector<16xf32>,
        tpu.vector_store_idx %arg10[%get3A_192], %gather3A {add = true} : memref<50000xf32, #tpu.memory_space<vmem>>[vector<16xi32>], vector<16xf32>,
        %gather3A_231 = tpu.vector_load_idx %arg9[%get3A_164] : memref<50000xf32, #tpu.memory_space<vmem>>[vector<16xi32>], vector<16xf32>,
        tpu.vector_store_idx %arg10[%get3A_196], %gather3A_229 {add = true} : memref<50000xf32, #tpu.memory_space<vmem>>[vector<16xi32>], vector<16xf32>,
        %gather3A_232 = tpu.vector_load_idx %arg9[%get3A_168] : memref<50000xf32, #tpu.memory_space<vmem>>[vector<16xi32>], vector<16xf32>,
        tpu.vector_store_idx %arg10[%get3A_200], %gather3A_230 {add = true} : memref<50000xf32, #tpu.memory_space<vmem>>[vector<16xi32>], vector<16xf32>,
        %gather3A_233 = tpu.vector_load_idx %arg9[%get3A_172] : memref<50000xf32, #tpu.memory_space<vmem>>[vector<16xi32>], vector<16xf32>,
        tpu.vector_store_idx %arg10[%get3A_204], %gather3A_231 {add = true} : memref<50000xf32, #tpu.memory_space<vmem>>[vector<16xi32>], vector<16xf32>,
        %gather3A_234 = tpu.vector_load_idx %arg9[%get3A_176] : memref<50000xf32, #tpu.memory_space<vmem>>[vector<16xi32>], vector<16xf32>,
        tpu.vector_store_idx %arg10[%get3A_208], %gather3A_232 {add = true} : memref<50000xf32, #tpu.memory_space<vmem>>[vector<16xi32>], vector<16xf32>,
        %gather3A_235 = tpu.vector_load_idx %arg9[%get3A_180] : memref<50000xf32, #tpu.memory_space<vmem>>[vector<16xi32>], vector<16xf32>,
        tpu.vector_store_idx %arg10[%get3A_212], %gather3A_233 {add = true} : memref<50000xf32, #tpu.memory_space<vmem>>[vector<16xi32>], vector<16xf32>,
        %gather3A_236 = tpu.vector_load_idx %arg9[%get3A_184] : memref<50000xf32, #tpu.memory_space<vmem>>[vector<16xi32>], vector<16xf32>,
        tpu.vector_store_idx %arg10[%get3A_216], %gather3A_234 {add = true} : memref<50000xf32, #tpu.memory_space<vmem>>[vector<16xi32>], vector<16xf32>,
        %gather3A_237 = tpu.vector_load_idx %arg9[%get3A_188] : memref<50000xf32, #tpu.memory_space<vmem>>[vector<16xi32>], vector<16xf32>,
        tpu.vector_store_idx %arg10[%get3A_220], %gather3A_235 {add = true} : memref<50000xf32, #tpu.memory_space<vmem>>[vector<16xi32>], vector<16xf32>,
        tpu.vector_store_idx %arg10[%get3A_224], %gather3A_236 {add = true} : memref<50000xf32, #tpu.memory_space<vmem>>[vector<16xi32>], vector<16xf32>,
        tpu.vector_store_idx %arg10[%get3A_228], %gather3A_237 {add = true} : memref<50000xf32, #tpu.memory_space<vmem>>[vector<16xi32>], vector<16xf32>,
      }
      %scan3A_142 = arith.constant 25 : i32
    }
    %scan3A_96 = arith.constant 25 : i32
    "tpu.region"() ({
      %run_scoped3A = tpu.sem_alloc : memref<!tpu.dma_semaphore, #tpu.memory_space<semaphore_mem>>
      %dma_start3A_97 = arith.constant 0 : i32
      %dma_start3A_98 = tpu.memref_slice %arg4[%add3A, %dma_start3A_97] : memref<32x50000xf32, #tpu.memory_space<hbm>> -> memref<1x50000xf32, #tpu.memory_space<hbm>>
      %dma_start3A_99 = tpu.memref_squeeze %dma_start3A_98 : memref<1x50000xf32, #tpu.memory_space<hbm>> -> memref<50000xf32, #tpu.memory_space<hbm>>
      %dma_start3A_100 = arith.constant 0 : i32
      %dma_start3A_101 = tpu.memref_slice %arg4[%add3A, %dma_start3A_100] : memref<32x50000xf32, #tpu.memory_space<hbm>> -> memref<1x50000xf32, #tpu.memory_space<hbm>>
      %dma_start3A_102 = tpu.memref_squeeze %dma_start3A_101 : memref<1x50000xf32, #tpu.memory_space<hbm>> -> memref<50000xf32, #tpu.memory_space<hbm>>
      tpu.enqueue_dma source(%arg10 : memref<50000xf32, #tpu.memory_space<vmem>>) target(%dma_start3A_102 : memref<50000xf32, #tpu.memory_space<hbm>>) target_semaphore(%run_scoped3A : memref<!tpu.dma_semaphore, #tpu.memory_space<semaphore_mem>>)
      %dma_wait3A = arith.constant 0 : i32
      %dma_wait3A_103 = tpu.memref_slice %arg4[%add3A, %dma_wait3A] : memref<32x50000xf32, #tpu.memory_space<hbm>> -> memref<1x50000xf32, #tpu.memory_space<hbm>>
      %dma_wait3A_104 = tpu.memref_squeeze %dma_wait3A_103 : memref<1x50000xf32, #tpu.memory_space<hbm>> -> memref<50000xf32, #tpu.memory_space<hbm>>
      %dma_wait3A_105 = arith.constant 0 : i32
      %dma_wait3A_106 = tpu.memref_slice %arg4[%add3A, %dma_wait3A_105] : memref<32x50000xf32, #tpu.memory_space<hbm>> -> memref<1x50000xf32, #tpu.memory_space<hbm>>
      %dma_wait3A_107 = tpu.memref_squeeze %dma_wait3A_106 : memref<1x50000xf32, #tpu.memory_space<hbm>> -> memref<50000xf32, #tpu.memory_space<hbm>>
      tpu.wait_dma2 semaphore(%run_scoped3A : memref<!tpu.dma_semaphore, #tpu.memory_space<semaphore_mem>>) src(%arg10 : memref<50000xf32, #tpu.memory_space<vmem>>) dst(%dma_wait3A_107 : memref<50000xf32, #tpu.memory_space<hbm>>)
      tpu.yield
    }) : () -> ()
    return
  }
}

#map = affine_map<(d0, d1) -> (0)>
#map1 = affine_map<(d0, d1) -> (0, 0)>
module attributes {stable_mosaic.version = 14 : i64} {
  func.func @_sc_deg_body(%arg0: i32, %arg1: i32, %arg2: memref<3200000xi32, #tpu.memory_space<hbm>>, %arg3: memref<32x50000xf32, #tpu.memory_space<hbm>>, %arg4: memref<2000xi32, #tpu.memory_space<vmem>>, %arg5: memref<2000xi32, #tpu.memory_space<vmem>>, %arg6: memref<50000xf32, #tpu.memory_space<vmem>>, %arg7: memref<!tpu.dma_semaphore, #tpu.memory_space<semaphore_mem>>, %arg8: memref<!tpu.dma_semaphore, #tpu.memory_space<semaphore_mem>>) attributes {dimension_semantics = [#tpu.dimension_semantics<core_parallel>, #tpu.dimension_semantics<subcore_parallel>], iteration_bounds = array<i64: 2, 16>, scalar_prefetch = 0 : i64, scratch_operands = 5 : i64, tpu.core_type = #tpu.core_type<sc_vector_subcore>, window_params = [{transform_indices = #map}, {transform_indices = #map1}]} {
    %mul3A = arith.constant 16 : i32
    %mul3A_0 = arith.muli %arg0, %mul3A : i32
    %add3A = arith.addi %mul3A_0, %arg1 : i32
    %scan3A = arith.constant 0 : i32
    %scan3A_1 = arith.constant 3120 : i32
    %scan3A_2 = arith.addi %scan3A, %scan3A_1 : i32
    %scan3A_3 = arith.constant 8 : i32
    scf.for %scan3A_85 = %scan3A to %scan3A_2 step %scan3A_3  : i32 {
      %mul3A_86 = arith.constant 1 : i32
      %mul3A_87 = arith.muli %scan3A_85, %mul3A_86 : i32
      %add3A_88 = arith.constant 0 : i32
      %add3A_89 = arith.addi %add3A_88, %mul3A_87 : i32
      %broadcast_in_dim3A_90 = arith.constant 0.000000e+00 : f32
      %broadcast_in_dim3A_91 = vector.broadcast %broadcast_in_dim3A_90 : f32 to vector<16xf32>
      %mul3A_92 = arith.constant 16 : i32
      %mul3A_93 = arith.muli %add3A_89, %mul3A_92 : i32
      %swap3A_94 = arith.index_cast %mul3A_93 : i32 to index
      %swap3A_95 = tpu.vector_load %arg6[%swap3A_94] {strides = array<i32>} : memref<50000xf32, #tpu.memory_space<vmem>>, vector<16xf32>,
      tpu.vector_store %arg6[%swap3A_94], %broadcast_in_dim3A_91 {strides = array<i32>} : memref<50000xf32, #tpu.memory_space<vmem>>, vector<16xf32>,
      %scan3A_96 = arith.constant 1 : i32
      %scan3A_97 = arith.addi %scan3A_85, %scan3A_96 : i32
      %mul3A_98 = arith.constant 1 : i32
      %mul3A_99 = arith.muli %scan3A_97, %mul3A_98 : i32
      %add3A_100 = arith.constant 0 : i32
      %add3A_101 = arith.addi %add3A_100, %mul3A_99 : i32
      %broadcast_in_dim3A_102 = arith.constant 0.000000e+00 : f32
      %broadcast_in_dim3A_103 = vector.broadcast %broadcast_in_dim3A_102 : f32 to vector<16xf32>
      %mul3A_104 = arith.constant 16 : i32
      %mul3A_105 = arith.muli %add3A_101, %mul3A_104 : i32
      %swap3A_106 = arith.index_cast %mul3A_105 : i32 to index
      %swap3A_107 = tpu.vector_load %arg6[%swap3A_106] {strides = array<i32>} : memref<50000xf32, #tpu.memory_space<vmem>>, vector<16xf32>,
      tpu.vector_store %arg6[%swap3A_106], %broadcast_in_dim3A_103 {strides = array<i32>} : memref<50000xf32, #tpu.memory_space<vmem>>, vector<16xf32>,
      %scan3A_108 = arith.constant 2 : i32
      %scan3A_109 = arith.addi %scan3A_85, %scan3A_108 : i32
      %mul3A_110 = arith.constant 1 : i32
      %mul3A_111 = arith.muli %scan3A_109, %mul3A_110 : i32
      %add3A_112 = arith.constant 0 : i32
      %add3A_113 = arith.addi %add3A_112, %mul3A_111 : i32
      %broadcast_in_dim3A_114 = arith.constant 0.000000e+00 : f32
      %broadcast_in_dim3A_115 = vector.broadcast %broadcast_in_dim3A_114 : f32 to vector<16xf32>
      %mul3A_116 = arith.constant 16 : i32
      %mul3A_117 = arith.muli %add3A_113, %mul3A_116 : i32
      %swap3A_118 = arith.index_cast %mul3A_117 : i32 to index
      %swap3A_119 = tpu.vector_load %arg6[%swap3A_118] {strides = array<i32>} : memref<50000xf32, #tpu.memory_space<vmem>>, vector<16xf32>,
      tpu.vector_store %arg6[%swap3A_118], %broadcast_in_dim3A_115 {strides = array<i32>} : memref<50000xf32, #tpu.memory_space<vmem>>, vector<16xf32>,
      %scan3A_120 = arith.constant 3 : i32
      %scan3A_121 = arith.addi %scan3A_85, %scan3A_120 : i32
      %mul3A_122 = arith.constant 1 : i32
      %mul3A_123 = arith.muli %scan3A_121, %mul3A_122 : i32
      %add3A_124 = arith.constant 0 : i32
      %add3A_125 = arith.addi %add3A_124, %mul3A_123 : i32
      %broadcast_in_dim3A_126 = arith.constant 0.000000e+00 : f32
      %broadcast_in_dim3A_127 = vector.broadcast %broadcast_in_dim3A_126 : f32 to vector<16xf32>
      %mul3A_128 = arith.constant 16 : i32
      %mul3A_129 = arith.muli %add3A_125, %mul3A_128 : i32
      %swap3A_130 = arith.index_cast %mul3A_129 : i32 to index
      %swap3A_131 = tpu.vector_load %arg6[%swap3A_130] {strides = array<i32>} : memref<50000xf32, #tpu.memory_space<vmem>>, vector<16xf32>,
      tpu.vector_store %arg6[%swap3A_130], %broadcast_in_dim3A_127 {strides = array<i32>} : memref<50000xf32, #tpu.memory_space<vmem>>, vector<16xf32>,
      %scan3A_132 = arith.constant 4 : i32
      %scan3A_133 = arith.addi %scan3A_85, %scan3A_132 : i32
      %mul3A_134 = arith.constant 1 : i32
      %mul3A_135 = arith.muli %scan3A_133, %mul3A_134 : i32
      %add3A_136 = arith.constant 0 : i32
      %add3A_137 = arith.addi %add3A_136, %mul3A_135 : i32
      %broadcast_in_dim3A_138 = arith.constant 0.000000e+00 : f32
      %broadcast_in_dim3A_139 = vector.broadcast %broadcast_in_dim3A_138 : f32 to vector<16xf32>
      %mul3A_140 = arith.constant 16 : i32
      %mul3A_141 = arith.muli %add3A_137, %mul3A_140 : i32
      %swap3A_142 = arith.index_cast %mul3A_141 : i32 to index
      %swap3A_143 = tpu.vector_load %arg6[%swap3A_142] {strides = array<i32>} : memref<50000xf32, #tpu.memory_space<vmem>>, vector<16xf32>,
      tpu.vector_store %arg6[%swap3A_142], %broadcast_in_dim3A_139 {strides = array<i32>} : memref<50000xf32, #tpu.memory_space<vmem>>, vector<16xf32>,
      %scan3A_144 = arith.constant 5 : i32
      %scan3A_145 = arith.addi %scan3A_85, %scan3A_144 : i32
      %mul3A_146 = arith.constant 1 : i32
      %mul3A_147 = arith.muli %scan3A_145, %mul3A_146 : i32
      %add3A_148 = arith.constant 0 : i32
      %add3A_149 = arith.addi %add3A_148, %mul3A_147 : i32
      %broadcast_in_dim3A_150 = arith.constant 0.000000e+00 : f32
      %broadcast_in_dim3A_151 = vector.broadcast %broadcast_in_dim3A_150 : f32 to vector<16xf32>
      %mul3A_152 = arith.constant 16 : i32
      %mul3A_153 = arith.muli %add3A_149, %mul3A_152 : i32
      %swap3A_154 = arith.index_cast %mul3A_153 : i32 to index
      %swap3A_155 = tpu.vector_load %arg6[%swap3A_154] {strides = array<i32>} : memref<50000xf32, #tpu.memory_space<vmem>>, vector<16xf32>,
      tpu.vector_store %arg6[%swap3A_154], %broadcast_in_dim3A_151 {strides = array<i32>} : memref<50000xf32, #tpu.memory_space<vmem>>, vector<16xf32>,
      %scan3A_156 = arith.constant 6 : i32
      %scan3A_157 = arith.addi %scan3A_85, %scan3A_156 : i32
      %mul3A_158 = arith.constant 1 : i32
      %mul3A_159 = arith.muli %scan3A_157, %mul3A_158 : i32
      %add3A_160 = arith.constant 0 : i32
      %add3A_161 = arith.addi %add3A_160, %mul3A_159 : i32
      %broadcast_in_dim3A_162 = arith.constant 0.000000e+00 : f32
      %broadcast_in_dim3A_163 = vector.broadcast %broadcast_in_dim3A_162 : f32 to vector<16xf32>
      %mul3A_164 = arith.constant 16 : i32
      %mul3A_165 = arith.muli %add3A_161, %mul3A_164 : i32
      %swap3A_166 = arith.index_cast %mul3A_165 : i32 to index
      %swap3A_167 = tpu.vector_load %arg6[%swap3A_166] {strides = array<i32>} : memref<50000xf32, #tpu.memory_space<vmem>>, vector<16xf32>,
      tpu.vector_store %arg6[%swap3A_166], %broadcast_in_dim3A_163 {strides = array<i32>} : memref<50000xf32, #tpu.memory_space<vmem>>, vector<16xf32>,
      %scan3A_168 = arith.constant 7 : i32
      %scan3A_169 = arith.addi %scan3A_85, %scan3A_168 : i32
      %mul3A_170 = arith.constant 1 : i32
      %mul3A_171 = arith.muli %scan3A_169, %mul3A_170 : i32
      %add3A_172 = arith.constant 0 : i32
      %add3A_173 = arith.addi %add3A_172, %mul3A_171 : i32
      %broadcast_in_dim3A_174 = arith.constant 0.000000e+00 : f32
      %broadcast_in_dim3A_175 = vector.broadcast %broadcast_in_dim3A_174 : f32 to vector<16xf32>
      %mul3A_176 = arith.constant 16 : i32
      %mul3A_177 = arith.muli %add3A_173, %mul3A_176 : i32
      %swap3A_178 = arith.index_cast %mul3A_177 : i32 to index
      %swap3A_179 = tpu.vector_load %arg6[%swap3A_178] {strides = array<i32>} : memref<50000xf32, #tpu.memory_space<vmem>>, vector<16xf32>,
      tpu.vector_store %arg6[%swap3A_178], %broadcast_in_dim3A_175 {strides = array<i32>} : memref<50000xf32, #tpu.memory_space<vmem>>, vector<16xf32>,
    }
    %scan3A_4 = arith.constant 3120 : i32
    %scan3A_5 = arith.addi %scan3A, %scan3A_4 : i32
    %mul3A_6 = arith.constant 1 : i32
    %mul3A_7 = arith.muli %scan3A_5, %mul3A_6 : i32
    %add3A_8 = arith.constant 0 : i32
    %add3A_9 = arith.addi %add3A_8, %mul3A_7 : i32
    %broadcast_in_dim3A = arith.constant 0.000000e+00 : f32
    %broadcast_in_dim3A_10 = vector.broadcast %broadcast_in_dim3A : f32 to vector<16xf32>
    %mul3A_11 = arith.constant 16 : i32
    %mul3A_12 = arith.muli %add3A_9, %mul3A_11 : i32
    %swap3A = arith.index_cast %mul3A_12 : i32 to index
    %swap3A_13 = tpu.vector_load %arg6[%swap3A] {strides = array<i32>} : memref<50000xf32, #tpu.memory_space<vmem>>, vector<16xf32>,
    tpu.vector_store %arg6[%swap3A], %broadcast_in_dim3A_10 {strides = array<i32>} : memref<50000xf32, #tpu.memory_space<vmem>>, vector<16xf32>,
    %scan3A_14 = arith.constant 3121 : i32
    %scan3A_15 = arith.addi %scan3A, %scan3A_14 : i32
    %mul3A_16 = arith.constant 1 : i32
    %mul3A_17 = arith.muli %scan3A_15, %mul3A_16 : i32
    %add3A_18 = arith.constant 0 : i32
    %add3A_19 = arith.addi %add3A_18, %mul3A_17 : i32
    %broadcast_in_dim3A_20 = arith.constant 0.000000e+00 : f32
    %broadcast_in_dim3A_21 = vector.broadcast %broadcast_in_dim3A_20 : f32 to vector<16xf32>
    %mul3A_22 = arith.constant 16 : i32
    %mul3A_23 = arith.muli %add3A_19, %mul3A_22 : i32
    %swap3A_24 = arith.index_cast %mul3A_23 : i32 to index
    %swap3A_25 = tpu.vector_load %arg6[%swap3A_24] {strides = array<i32>} : memref<50000xf32, #tpu.memory_space<vmem>>, vector<16xf32>,
    tpu.vector_store %arg6[%swap3A_24], %broadcast_in_dim3A_21 {strides = array<i32>} : memref<50000xf32, #tpu.memory_space<vmem>>, vector<16xf32>,
    %scan3A_26 = arith.constant 3122 : i32
    %scan3A_27 = arith.addi %scan3A, %scan3A_26 : i32
    %mul3A_28 = arith.constant 1 : i32
    %mul3A_29 = arith.muli %scan3A_27, %mul3A_28 : i32
    %add3A_30 = arith.constant 0 : i32
    %add3A_31 = arith.addi %add3A_30, %mul3A_29 : i32
    %broadcast_in_dim3A_32 = arith.constant 0.000000e+00 : f32
    %broadcast_in_dim3A_33 = vector.broadcast %broadcast_in_dim3A_32 : f32 to vector<16xf32>
    %mul3A_34 = arith.constant 16 : i32
    %mul3A_35 = arith.muli %add3A_31, %mul3A_34 : i32
    %swap3A_36 = arith.index_cast %mul3A_35 : i32 to index
    %swap3A_37 = tpu.vector_load %arg6[%swap3A_36] {strides = array<i32>} : memref<50000xf32, #tpu.memory_space<vmem>>, vector<16xf32>,
    tpu.vector_store %arg6[%swap3A_36], %broadcast_in_dim3A_33 {strides = array<i32>} : memref<50000xf32, #tpu.memory_space<vmem>>, vector<16xf32>,
    %scan3A_38 = arith.constant 3123 : i32
    %scan3A_39 = arith.addi %scan3A, %scan3A_38 : i32
    %mul3A_40 = arith.constant 1 : i32
    %mul3A_41 = arith.muli %scan3A_39, %mul3A_40 : i32
    %add3A_42 = arith.constant 0 : i32
    %add3A_43 = arith.addi %add3A_42, %mul3A_41 : i32
    %broadcast_in_dim3A_44 = arith.constant 0.000000e+00 : f32
    %broadcast_in_dim3A_45 = vector.broadcast %broadcast_in_dim3A_44 : f32 to vector<16xf32>
    %mul3A_46 = arith.constant 16 : i32
    %mul3A_47 = arith.muli %add3A_43, %mul3A_46 : i32
    %swap3A_48 = arith.index_cast %mul3A_47 : i32 to index
    %swap3A_49 = tpu.vector_load %arg6[%swap3A_48] {strides = array<i32>} : memref<50000xf32, #tpu.memory_space<vmem>>, vector<16xf32>,
    tpu.vector_store %arg6[%swap3A_48], %broadcast_in_dim3A_45 {strides = array<i32>} : memref<50000xf32, #tpu.memory_space<vmem>>, vector<16xf32>,
    %scan3A_50 = arith.constant 3124 : i32
    %scan3A_51 = arith.addi %scan3A, %scan3A_50 : i32
    %mul3A_52 = arith.constant 1 : i32
    %mul3A_53 = arith.muli %scan3A_51, %mul3A_52 : i32
    %add3A_54 = arith.constant 0 : i32
    %add3A_55 = arith.addi %add3A_54, %mul3A_53 : i32
    %broadcast_in_dim3A_56 = arith.constant 0.000000e+00 : f32
    %broadcast_in_dim3A_57 = vector.broadcast %broadcast_in_dim3A_56 : f32 to vector<16xf32>
    %mul3A_58 = arith.constant 16 : i32
    %mul3A_59 = arith.muli %add3A_55, %mul3A_58 : i32
    %swap3A_60 = arith.index_cast %mul3A_59 : i32 to index
    %swap3A_61 = tpu.vector_load %arg6[%swap3A_60] {strides = array<i32>} : memref<50000xf32, #tpu.memory_space<vmem>>, vector<16xf32>,
    tpu.vector_store %arg6[%swap3A_60], %broadcast_in_dim3A_57 {strides = array<i32>} : memref<50000xf32, #tpu.memory_space<vmem>>, vector<16xf32>,
    %scan3A_62 = arith.constant 3125 : i32
    %mul3A_63 = arith.constant 50000 : i32
    %mul3A_64 = arith.muli %add3A, %mul3A_63 : i32
    %broadcast_in_dim3A_65 = arith.constant 1.000000e+00 : f32
    %broadcast_in_dim3A_66 = vector.broadcast %broadcast_in_dim3A_65 : f32 to vector<16xf32>
    %add3A_67 = arith.constant 1600000 : i32
    %add3A_68 = arith.addi %add3A_67, %mul3A_64 : i32
    %add3A_69 = arith.constant 0 : i32
    %add3A_70 = arith.addi %add3A_68, %add3A_69 : i32
    %dma_start3A = tpu.memref_slice %arg2[%add3A_70] : memref<3200000xi32, #tpu.memory_space<hbm>> -> memref<2000xi32, #tpu.memory_space<hbm>>
    %dma_start3A_71 = tpu.memref_slice %arg2[%add3A_70] : memref<3200000xi32, #tpu.memory_space<hbm>> -> memref<2000xi32, #tpu.memory_space<hbm>>
    tpu.enqueue_dma source(%dma_start3A_71 : memref<2000xi32, #tpu.memory_space<hbm>>) target(%arg4 : memref<2000xi32, #tpu.memory_space<vmem>>) target_semaphore(%arg7 : memref<!tpu.dma_semaphore, #tpu.memory_space<semaphore_mem>>)
    %scan3A_72 = arith.constant 0 : i32
    %scan3A_73 = arith.constant 12 : i32
    %scan3A_74 = arith.addi %scan3A_72, %scan3A_73 : i32
    %scan3A_75 = arith.constant 1 : i32
    scf.for %scan3A_85 = %scan3A_72 to %scan3A_74 step %scan3A_75  : i32 {
      %mul3A_86 = arith.constant 1 : i32
      %mul3A_87 = arith.muli %scan3A_85, %mul3A_86 : i32
      %add3A_88 = arith.constant 0 : i32
      %add3A_89 = arith.addi %add3A_88, %mul3A_87 : i32
      %mul3A_90 = arith.constant 2 : i32
      %mul3A_91 = arith.muli %mul3A_90, %add3A_89 : i32
      %add3A_92 = arith.constant 1 : i32
      %add3A_93 = arith.addi %mul3A_91, %add3A_92 : i32
      %add3A_94 = arith.constant 1600000 : i32
      %add3A_95 = arith.addi %add3A_94, %mul3A_64 : i32
      %mul3A_96 = arith.constant 2000 : i32
      %mul3A_97 = arith.muli %add3A_93, %mul3A_96 : i32
      %add3A_98 = arith.addi %add3A_95, %mul3A_97 : i32
      %dma_start3A_99 = tpu.memref_slice %arg2[%add3A_98] : memref<3200000xi32, #tpu.memory_space<hbm>> -> memref<2000xi32, #tpu.memory_space<hbm>>
      %dma_start3A_100 = tpu.memref_slice %arg2[%add3A_98] : memref<3200000xi32, #tpu.memory_space<hbm>> -> memref<2000xi32, #tpu.memory_space<hbm>>
      tpu.enqueue_dma source(%dma_start3A_100 : memref<2000xi32, #tpu.memory_space<hbm>>) target(%arg5 : memref<2000xi32, #tpu.memory_space<vmem>>) target_semaphore(%arg8 : memref<!tpu.dma_semaphore, #tpu.memory_space<semaphore_mem>>)
      %add3A_101 = arith.constant 1600000 : i32
      %add3A_102 = arith.addi %add3A_101, %mul3A_64 : i32
      %dma_wait3A_103 = tpu.memref_slice %arg2[%add3A_102] : memref<3200000xi32, #tpu.memory_space<hbm>> -> memref<2000xi32, #tpu.memory_space<hbm>>
      %dma_wait3A_104 = tpu.memref_slice %arg2[%add3A_102] : memref<3200000xi32, #tpu.memory_space<hbm>> -> memref<2000xi32, #tpu.memory_space<hbm>>
      tpu.wait_dma2 semaphore(%arg7 : memref<!tpu.dma_semaphore, #tpu.memory_space<semaphore_mem>>) src(%dma_wait3A_104 : memref<2000xi32, #tpu.memory_space<hbm>>) dst(%arg4 : memref<2000xi32, #tpu.memory_space<vmem>>)
      %scan3A_105 = arith.constant 0 : i32
      %scan3A_106 = arith.constant 25 : i32
      %scan3A_107 = arith.addi %scan3A_105, %scan3A_106 : i32
      %scan3A_108 = arith.constant 1 : i32
      scf.for %scan3A_123 = %scan3A_105 to %scan3A_107 step %scan3A_108  : i32 {
        %mul3A_124 = arith.constant 1 : i32
        %mul3A_125 = arith.muli %scan3A_123, %mul3A_124 : i32
        %add3A_126 = arith.constant 0 : i32
        %add3A_127 = arith.addi %add3A_126, %mul3A_125 : i32
        %mul3A_128 = arith.constant 80 : i32
        %mul3A_129 = arith.muli %add3A_127, %mul3A_128 : i32
        %add3A_130 = arith.constant 0 : i32
        %add3A_131 = arith.addi %mul3A_129, %add3A_130 : i32
        %get3A = arith.index_cast %add3A_131 : i32 to index
        %get3A_132 = tpu.vector_load %arg4[%get3A] {strides = array<i32>} : memref<2000xi32, #tpu.memory_space<vmem>>, vector<16xi32>,
        %add3A_133 = arith.constant 16 : i32
        %add3A_134 = arith.addi %mul3A_129, %add3A_133 : i32
        %get3A_135 = arith.index_cast %add3A_134 : i32 to index
        %get3A_136 = tpu.vector_load %arg4[%get3A_135] {strides = array<i32>} : memref<2000xi32, #tpu.memory_space<vmem>>, vector<16xi32>,
        %add3A_137 = arith.constant 32 : i32
        %add3A_138 = arith.addi %mul3A_129, %add3A_137 : i32
        %get3A_139 = arith.index_cast %add3A_138 : i32 to index
        %get3A_140 = tpu.vector_load %arg4[%get3A_139] {strides = array<i32>} : memref<2000xi32, #tpu.memory_space<vmem>>, vector<16xi32>,
        %add3A_141 = arith.constant 48 : i32
        %add3A_142 = arith.addi %mul3A_129, %add3A_141 : i32
        %get3A_143 = arith.index_cast %add3A_142 : i32 to index
        %get3A_144 = tpu.vector_load %arg4[%get3A_143] {strides = array<i32>} : memref<2000xi32, #tpu.memory_space<vmem>>, vector<16xi32>,
        %add3A_145 = arith.constant 64 : i32
        %add3A_146 = arith.addi %mul3A_129, %add3A_145 : i32
        %get3A_147 = arith.index_cast %add3A_146 : i32 to index
        %get3A_148 = tpu.vector_load %arg4[%get3A_147] {strides = array<i32>} : memref<2000xi32, #tpu.memory_space<vmem>>, vector<16xi32>,
        tpu.vector_store_idx %arg6[%get3A_132], %broadcast_in_dim3A_66 {add = true} : memref<50000xf32, #tpu.memory_space<vmem>>[vector<16xi32>], vector<16xf32>,
        tpu.vector_store_idx %arg6[%get3A_136], %broadcast_in_dim3A_66 {add = true} : memref<50000xf32, #tpu.memory_space<vmem>>[vector<16xi32>], vector<16xf32>,
        tpu.vector_store_idx %arg6[%get3A_140], %broadcast_in_dim3A_66 {add = true} : memref<50000xf32, #tpu.memory_space<vmem>>[vector<16xi32>], vector<16xf32>,
        tpu.vector_store_idx %arg6[%get3A_144], %broadcast_in_dim3A_66 {add = true} : memref<50000xf32, #tpu.memory_space<vmem>>[vector<16xi32>], vector<16xf32>,
        tpu.vector_store_idx %arg6[%get3A_148], %broadcast_in_dim3A_66 {add = true} : memref<50000xf32, #tpu.memory_space<vmem>>[vector<16xi32>], vector<16xf32>,
      }
      %scan3A_109 = arith.constant 25 : i32
      %add3A_110 = arith.constant 2 : i32
      %add3A_111 = arith.addi %mul3A_91, %add3A_110 : i32
      %lt3A = arith.constant 25 : i32
      %lt3A_112 = arith.cmpi slt, %add3A_111, %lt3A : i32
      %convert_element_type3A = arith.extui %lt3A_112 : i1 to i32
      %cond3A = arith.constant 0 : i32
      %cond3A_113 = arith.cmpi ne, %convert_element_type3A, %cond3A : i32
      scf.if %cond3A_113 {
        %add3A_123 = arith.constant 2 : i32
        %add3A_124 = arith.addi %mul3A_91, %add3A_123 : i32
        %add3A_125 = arith.constant 1600000 : i32
        %add3A_126 = arith.addi %add3A_125, %mul3A_64 : i32
        %mul3A_127 = arith.constant 2000 : i32
        %mul3A_128 = arith.muli %add3A_124, %mul3A_127 : i32
        %add3A_129 = arith.addi %add3A_126, %mul3A_128 : i32
        %dma_start3A_130 = tpu.memref_slice %arg2[%add3A_129] : memref<3200000xi32, #tpu.memory_space<hbm>> -> memref<2000xi32, #tpu.memory_space<hbm>>
        %dma_start3A_131 = tpu.memref_slice %arg2[%add3A_129] : memref<3200000xi32, #tpu.memory_space<hbm>> -> memref<2000xi32, #tpu.memory_space<hbm>>
        tpu.enqueue_dma source(%dma_start3A_131 : memref<2000xi32, #tpu.memory_space<hbm>>) target(%arg4 : memref<2000xi32, #tpu.memory_space<vmem>>) target_semaphore(%arg7 : memref<!tpu.dma_semaphore, #tpu.memory_space<semaphore_mem>>)
      } else {
      }
      %add3A_114 = arith.constant 1600000 : i32
      %add3A_115 = arith.addi %add3A_114, %mul3A_64 : i32
      %dma_wait3A_116 = tpu.memref_slice %arg2[%add3A_115] : memref<3200000xi32, #tpu.memory_space<hbm>> -> memref<2000xi32, #tpu.memory_space<hbm>>
      %dma_wait3A_117 = tpu.memref_slice %arg2[%add3A_115] : memref<3200000xi32, #tpu.memory_space<hbm>> -> memref<2000xi32, #tpu.memory_space<hbm>>
      tpu.wait_dma2 semaphore(%arg8 : memref<!tpu.dma_semaphore, #tpu.memory_space<semaphore_mem>>) src(%dma_wait3A_117 : memref<2000xi32, #tpu.memory_space<hbm>>) dst(%arg5 : memref<2000xi32, #tpu.memory_space<vmem>>)
      %scan3A_118 = arith.constant 0 : i32
      %scan3A_119 = arith.constant 25 : i32
      %scan3A_120 = arith.addi %scan3A_118, %scan3A_119 : i32
      %scan3A_121 = arith.constant 1 : i32
      scf.for %scan3A_123 = %scan3A_118 to %scan3A_120 step %scan3A_121  : i32 {
        %mul3A_124 = arith.constant 1 : i32
        %mul3A_125 = arith.muli %scan3A_123, %mul3A_124 : i32
        %add3A_126 = arith.constant 0 : i32
        %add3A_127 = arith.addi %add3A_126, %mul3A_125 : i32
        %mul3A_128 = arith.constant 80 : i32
        %mul3A_129 = arith.muli %add3A_127, %mul3A_128 : i32
        %add3A_130 = arith.constant 0 : i32
        %add3A_131 = arith.addi %mul3A_129, %add3A_130 : i32
        %get3A = arith.index_cast %add3A_131 : i32 to index
        %get3A_132 = tpu.vector_load %arg5[%get3A] {strides = array<i32>} : memref<2000xi32, #tpu.memory_space<vmem>>, vector<16xi32>,
        %add3A_133 = arith.constant 16 : i32
        %add3A_134 = arith.addi %mul3A_129, %add3A_133 : i32
        %get3A_135 = arith.index_cast %add3A_134 : i32 to index
        %get3A_136 = tpu.vector_load %arg5[%get3A_135] {strides = array<i32>} : memref<2000xi32, #tpu.memory_space<vmem>>, vector<16xi32>,
        %add3A_137 = arith.constant 32 : i32
        %add3A_138 = arith.addi %mul3A_129, %add3A_137 : i32
        %get3A_139 = arith.index_cast %add3A_138 : i32 to index
        %get3A_140 = tpu.vector_load %arg5[%get3A_139] {strides = array<i32>} : memref<2000xi32, #tpu.memory_space<vmem>>, vector<16xi32>,
        %add3A_141 = arith.constant 48 : i32
        %add3A_142 = arith.addi %mul3A_129, %add3A_141 : i32
        %get3A_143 = arith.index_cast %add3A_142 : i32 to index
        %get3A_144 = tpu.vector_load %arg5[%get3A_143] {strides = array<i32>} : memref<2000xi32, #tpu.memory_space<vmem>>, vector<16xi32>,
        %add3A_145 = arith.constant 64 : i32
        %add3A_146 = arith.addi %mul3A_129, %add3A_145 : i32
        %get3A_147 = arith.index_cast %add3A_146 : i32 to index
        %get3A_148 = tpu.vector_load %arg5[%get3A_147] {strides = array<i32>} : memref<2000xi32, #tpu.memory_space<vmem>>, vector<16xi32>,
        tpu.vector_store_idx %arg6[%get3A_132], %broadcast_in_dim3A_66 {add = true} : memref<50000xf32, #tpu.memory_space<vmem>>[vector<16xi32>], vector<16xf32>,
        tpu.vector_store_idx %arg6[%get3A_136], %broadcast_in_dim3A_66 {add = true} : memref<50000xf32, #tpu.memory_space<vmem>>[vector<16xi32>], vector<16xf32>,
        tpu.vector_store_idx %arg6[%get3A_140], %broadcast_in_dim3A_66 {add = true} : memref<50000xf32, #tpu.memory_space<vmem>>[vector<16xi32>], vector<16xf32>,
        tpu.vector_store_idx %arg6[%get3A_144], %broadcast_in_dim3A_66 {add = true} : memref<50000xf32, #tpu.memory_space<vmem>>[vector<16xi32>], vector<16xf32>,
        tpu.vector_store_idx %arg6[%get3A_148], %broadcast_in_dim3A_66 {add = true} : memref<50000xf32, #tpu.memory_space<vmem>>[vector<16xi32>], vector<16xf32>,
      }
      %scan3A_122 = arith.constant 25 : i32
    }
    %scan3A_76 = arith.constant 12 : i32
    %add3A_77 = arith.constant 1600000 : i32
    %add3A_78 = arith.addi %add3A_77, %mul3A_64 : i32
    %dma_wait3A = tpu.memref_slice %arg2[%add3A_78] : memref<3200000xi32, #tpu.memory_space<hbm>> -> memref<2000xi32, #tpu.memory_space<hbm>>
    %dma_wait3A_79 = tpu.memref_slice %arg2[%add3A_78] : memref<3200000xi32, #tpu.memory_space<hbm>> -> memref<2000xi32, #tpu.memory_space<hbm>>
    tpu.wait_dma2 semaphore(%arg7 : memref<!tpu.dma_semaphore, #tpu.memory_space<semaphore_mem>>) src(%dma_wait3A_79 : memref<2000xi32, #tpu.memory_space<hbm>>) dst(%arg4 : memref<2000xi32, #tpu.memory_space<vmem>>)
    %scan3A_80 = arith.constant 0 : i32
    %scan3A_81 = arith.constant 25 : i32
    %scan3A_82 = arith.addi %scan3A_80, %scan3A_81 : i32
    %scan3A_83 = arith.constant 1 : i32
    scf.for %scan3A_85 = %scan3A_80 to %scan3A_82 step %scan3A_83  : i32 {
      %mul3A_86 = arith.constant 1 : i32
      %mul3A_87 = arith.muli %scan3A_85, %mul3A_86 : i32
      %add3A_88 = arith.constant 0 : i32
      %add3A_89 = arith.addi %add3A_88, %mul3A_87 : i32
      %mul3A_90 = arith.constant 80 : i32
      %mul3A_91 = arith.muli %add3A_89, %mul3A_90 : i32
      %add3A_92 = arith.constant 0 : i32
      %add3A_93 = arith.addi %mul3A_91, %add3A_92 : i32
      %get3A = arith.index_cast %add3A_93 : i32 to index
      %get3A_94 = tpu.vector_load %arg4[%get3A] {strides = array<i32>} : memref<2000xi32, #tpu.memory_space<vmem>>, vector<16xi32>,
      %add3A_95 = arith.constant 16 : i32
      %add3A_96 = arith.addi %mul3A_91, %add3A_95 : i32
      %get3A_97 = arith.index_cast %add3A_96 : i32 to index
      %get3A_98 = tpu.vector_load %arg4[%get3A_97] {strides = array<i32>} : memref<2000xi32, #tpu.memory_space<vmem>>, vector<16xi32>,
      %add3A_99 = arith.constant 32 : i32
      %add3A_100 = arith.addi %mul3A_91, %add3A_99 : i32
      %get3A_101 = arith.index_cast %add3A_100 : i32 to index
      %get3A_102 = tpu.vector_load %arg4[%get3A_101] {strides = array<i32>} : memref<2000xi32, #tpu.memory_space<vmem>>, vector<16xi32>,
      %add3A_103 = arith.constant 48 : i32
      %add3A_104 = arith.addi %mul3A_91, %add3A_103 : i32
      %get3A_105 = arith.index_cast %add3A_104 : i32 to index
      %get3A_106 = tpu.vector_load %arg4[%get3A_105] {strides = array<i32>} : memref<2000xi32, #tpu.memory_space<vmem>>, vector<16xi32>,
      %add3A_107 = arith.constant 64 : i32
      %add3A_108 = arith.addi %mul3A_91, %add3A_107 : i32
      %get3A_109 = arith.index_cast %add3A_108 : i32 to index
      %get3A_110 = tpu.vector_load %arg4[%get3A_109] {strides = array<i32>} : memref<2000xi32, #tpu.memory_space<vmem>>, vector<16xi32>,
      tpu.vector_store_idx %arg6[%get3A_94], %broadcast_in_dim3A_66 {add = true} : memref<50000xf32, #tpu.memory_space<vmem>>[vector<16xi32>], vector<16xf32>,
      tpu.vector_store_idx %arg6[%get3A_98], %broadcast_in_dim3A_66 {add = true} : memref<50000xf32, #tpu.memory_space<vmem>>[vector<16xi32>], vector<16xf32>,
      tpu.vector_store_idx %arg6[%get3A_102], %broadcast_in_dim3A_66 {add = true} : memref<50000xf32, #tpu.memory_space<vmem>>[vector<16xi32>], vector<16xf32>,
      tpu.vector_store_idx %arg6[%get3A_106], %broadcast_in_dim3A_66 {add = true} : memref<50000xf32, #tpu.memory_space<vmem>>[vector<16xi32>], vector<16xf32>,
      tpu.vector_store_idx %arg6[%get3A_110], %broadcast_in_dim3A_66 {add = true} : memref<50000xf32, #tpu.memory_space<vmem>>[vector<16xi32>], vector<16xf32>,
    }
    %scan3A_84 = arith.constant 25 : i32
    "tpu.region"() ({
      %run_scoped3A = tpu.sem_alloc : memref<!tpu.dma_semaphore, #tpu.memory_space<semaphore_mem>>
      %dma_start3A_85 = arith.constant 0 : i32
      %dma_start3A_86 = tpu.memref_slice %arg3[%add3A, %dma_start3A_85] : memref<32x50000xf32, #tpu.memory_space<hbm>> -> memref<1x50000xf32, #tpu.memory_space<hbm>>
      %dma_start3A_87 = tpu.memref_squeeze %dma_start3A_86 : memref<1x50000xf32, #tpu.memory_space<hbm>> -> memref<50000xf32, #tpu.memory_space<hbm>>
      %dma_start3A_88 = arith.constant 0 : i32
      %dma_start3A_89 = tpu.memref_slice %arg3[%add3A, %dma_start3A_88] : memref<32x50000xf32, #tpu.memory_space<hbm>> -> memref<1x50000xf32, #tpu.memory_space<hbm>>
      %dma_start3A_90 = tpu.memref_squeeze %dma_start3A_89 : memref<1x50000xf32, #tpu.memory_space<hbm>> -> memref<50000xf32, #tpu.memory_space<hbm>>
      tpu.enqueue_dma source(%arg6 : memref<50000xf32, #tpu.memory_space<vmem>>) target(%dma_start3A_90 : memref<50000xf32, #tpu.memory_space<hbm>>) target_semaphore(%run_scoped3A : memref<!tpu.dma_semaphore, #tpu.memory_space<semaphore_mem>>)
      %dma_wait3A_91 = arith.constant 0 : i32
      %dma_wait3A_92 = tpu.memref_slice %arg3[%add3A, %dma_wait3A_91] : memref<32x50000xf32, #tpu.memory_space<hbm>> -> memref<1x50000xf32, #tpu.memory_space<hbm>>
      %dma_wait3A_93 = tpu.memref_squeeze %dma_wait3A_92 : memref<1x50000xf32, #tpu.memory_space<hbm>> -> memref<50000xf32, #tpu.memory_space<hbm>>
      %dma_wait3A_94 = arith.constant 0 : i32
      %dma_wait3A_95 = tpu.memref_slice %arg3[%add3A, %dma_wait3A_94] : memref<32x50000xf32, #tpu.memory_space<hbm>> -> memref<1x50000xf32, #tpu.memory_space<hbm>>
      %dma_wait3A_96 = tpu.memref_squeeze %dma_wait3A_95 : memref<1x50000xf32, #tpu.memory_space<hbm>> -> memref<50000xf32, #tpu.memory_space<hbm>>
      tpu.wait_dma2 semaphore(%run_scoped3A : memref<!tpu.dma_semaphore, #tpu.memory_space<semaphore_mem>>) src(%arg6 : memref<50000xf32, #tpu.memory_space<vmem>>) dst(%dma_wait3A_96 : memref<50000xf32, #tpu.memory_space<hbm>>)
      tpu.yield
    }) : () -> ()
    return
  }
}

module attributes {stable_mosaic.version = 14 : i64} {
  func.func @_tc_b_body(%arg0: memref<32x50000xf32, #tpu.memory_space<vmem>>, %arg1: memref<50000x4xf32, #tpu.memory_space<vmem>>, %arg2: memref<4x50000xf32, #tpu.memory_space<vmem>>, %arg3: memref<1x50000xf32, #tpu.memory_space<vmem>>) attributes {dimension_semantics = [], scalar_prefetch = 0 : i64, scratch_operands = 0 : i64, tpu.core_type = #tpu.core_type<tc>} {
    %get3A = arith.constant 0 : index
    %get3A_0 = arith.constant 0 : index
    %get3A_1 = vector.load %arg0[%get3A, %get3A_0] : memref<32x50000xf32, #tpu.memory_space<vmem>>, vector<32x50000xf32>
    %reduce_sum3A = arith.constant dense<0.000000e+00> : vector<50000xf32>
    %reduce_sum3A_2 = vector.multi_reduction <add>, %get3A_1, %reduce_sum3A [0] : vector<32x50000xf32> to vector<50000xf32>
    %broadcast_in_dim3A = vector.shape_cast %reduce_sum3A_2 : vector<50000xf32> to vector<1x50000xf32>
    %add3A = arith.constant 1.000000e+00 : f32
    %add3A_3 = vector.broadcast %add3A : f32 to vector<1x50000xf32>
    %add3A_4 = arith.addf %broadcast_in_dim3A, %add3A_3 : vector<1x50000xf32>
    %rsqrt3A = math.rsqrt %add3A_4 : vector<1x50000xf32>
    %swap3A = arith.constant 0 : index
    %swap3A_5 = arith.constant 0 : index
    %swap3A_6 = vector.load %arg3[%swap3A, %swap3A_5] : memref<1x50000xf32, #tpu.memory_space<vmem>>, vector<1x50000xf32>
    tpu.vector_store %arg3[%swap3A, %swap3A_5], %rsqrt3A {strides = array<i32>} : memref<1x50000xf32, #tpu.memory_space<vmem>>, vector<1x50000xf32>,
    %get3A_7 = arith.constant 0 : index
    %get3A_8 = arith.constant 0 : index
    %get3A_9 = vector.load %arg1[%get3A_7, %get3A_8] : memref<50000x4xf32, #tpu.memory_space<vmem>>, vector<50000x4xf32>
    %transpose3A = tpu.transpose %get3A_9, [1, 0] : vector<50000x4xf32> -> vector<4x50000xf32>
    %mul3A = vector.broadcast %rsqrt3A : vector<1x50000xf32> to vector<4x50000xf32>
    %mul3A_10 = arith.mulf %transpose3A, %mul3A : vector<4x50000xf32>
    %swap3A_11 = arith.constant 0 : index
    %swap3A_12 = arith.constant 0 : index
    %swap3A_13 = vector.load %arg2[%swap3A_11, %swap3A_12] : memref<4x50000xf32, #tpu.memory_space<vmem>>, vector<4x50000xf32>
    tpu.vector_store %arg2[%swap3A_11, %swap3A_12], %mul3A_10 {strides = array<i32>} : memref<4x50000xf32, #tpu.memory_space<vmem>>, vector<4x50000xf32>,
    return
  }
}

module attributes {stable_mosaic.version = 14 : i64} {
  func.func @_tc_d_body(%arg0: memref<32x50000xf32, #tpu.memory_space<vmem>>, %arg1: memref<4x50000xf32, #tpu.memory_space<vmem>>, %arg2: memref<1x50000xf32, #tpu.memory_space<vmem>>, %arg3: memref<1x50000xf32, #tpu.memory_space<vmem>>, %arg4: memref<64x4xf32, #tpu.memory_space<vmem>>, %arg5: memref<64x1xf32, #tpu.memory_space<vmem>>, %arg6: memref<32x64xf32, #tpu.memory_space<vmem>>, %arg7: memref<32x1xf32, #tpu.memory_space<vmem>>, %arg8: memref<32x1xf32, #tpu.memory_space<vmem>>, %arg9: memref<1x32xf32, #tpu.memory_space<vmem>>, %arg10: memref<1x1xf32, #tpu.memory_space<vmem>>, %arg11: memref<1x50000xf32, #tpu.memory_space<vmem>>) attributes {dimension_semantics = [], scalar_prefetch = 0 : i64, scratch_operands = 0 : i64, tpu.core_type = #tpu.core_type<tc>} {
    %get3A = arith.constant 0 : index
    %get3A_0 = arith.constant 0 : index
    %get3A_1 = vector.load %arg0[%get3A, %get3A_0] : memref<32x50000xf32, #tpu.memory_space<vmem>>, vector<32x50000xf32>
    %slice3A = vector.extract_strided_slice %get3A_1 {offsets = [0, 0], sizes = [8, 50000], strides = [1, 1]} : vector<32x50000xf32> to vector<8x50000xf32>
    %reduce_sum3A = arith.constant dense<0.000000e+00> : vector<50000xf32>
    %reduce_sum3A_2 = vector.multi_reduction <add>, %slice3A, %reduce_sum3A [0] : vector<8x50000xf32> to vector<50000xf32>
    %broadcast_in_dim3A = vector.shape_cast %reduce_sum3A_2 : vector<50000xf32> to vector<1x50000xf32>
    %slice3A_3 = vector.extract_strided_slice %get3A_1 {offsets = [8, 0], sizes = [8, 50000], strides = [1, 1]} : vector<32x50000xf32> to vector<8x50000xf32>
    %reduce_sum3A_4 = arith.constant dense<0.000000e+00> : vector<50000xf32>
    %reduce_sum3A_5 = vector.multi_reduction <add>, %slice3A_3, %reduce_sum3A_4 [0] : vector<8x50000xf32> to vector<50000xf32>
    %broadcast_in_dim3A_6 = vector.shape_cast %reduce_sum3A_5 : vector<50000xf32> to vector<1x50000xf32>
    %slice3A_7 = vector.extract_strided_slice %get3A_1 {offsets = [16, 0], sizes = [8, 50000], strides = [1, 1]} : vector<32x50000xf32> to vector<8x50000xf32>
    %reduce_sum3A_8 = arith.constant dense<0.000000e+00> : vector<50000xf32>
    %reduce_sum3A_9 = vector.multi_reduction <add>, %slice3A_7, %reduce_sum3A_8 [0] : vector<8x50000xf32> to vector<50000xf32>
    %broadcast_in_dim3A_10 = vector.shape_cast %reduce_sum3A_9 : vector<50000xf32> to vector<1x50000xf32>
    %slice3A_11 = vector.extract_strided_slice %get3A_1 {offsets = [24, 0], sizes = [8, 50000], strides = [1, 1]} : vector<32x50000xf32> to vector<8x50000xf32>
    %reduce_sum3A_12 = arith.constant dense<0.000000e+00> : vector<50000xf32>
    %reduce_sum3A_13 = vector.multi_reduction <add>, %slice3A_11, %reduce_sum3A_12 [0] : vector<8x50000xf32> to vector<50000xf32>
    %broadcast_in_dim3A_14 = vector.shape_cast %reduce_sum3A_13 : vector<50000xf32> to vector<1x50000xf32>
    %concatenate3A = tpu.concatenate %broadcast_in_dim3A, %broadcast_in_dim3A_6, %broadcast_in_dim3A_10, %broadcast_in_dim3A_14 in 0 : vector<1x50000xf32>, vector<1x50000xf32>, vector<1x50000xf32>, vector<1x50000xf32> -> vector<4x50000xf32>
    %get3A_15 = arith.constant 0 : index
    %get3A_16 = arith.constant 0 : index
    %get3A_17 = vector.load %arg2[%get3A_15, %get3A_16] : memref<1x50000xf32, #tpu.memory_space<vmem>>, vector<1x50000xf32>
    %get3A_18 = arith.constant 0 : index
    %get3A_19 = arith.constant 0 : index
    %get3A_20 = vector.load %arg1[%get3A_18, %get3A_19] : memref<4x50000xf32, #tpu.memory_space<vmem>>, vector<4x50000xf32>
    %add3A = arith.addf %concatenate3A, %get3A_20 : vector<4x50000xf32>
    %mul3A = vector.broadcast %get3A_17 : vector<1x50000xf32> to vector<4x50000xf32>
    %mul3A_21 = arith.mulf %mul3A, %add3A : vector<4x50000xf32>
    %get3A_22 = arith.constant 0 : index
    %get3A_23 = arith.constant 0 : index
    %get3A_24 = vector.load %arg4[%get3A_22, %get3A_23] : memref<64x4xf32, #tpu.memory_space<vmem>>, vector<64x4xf32>
    %dot_general3A = arith.constant dense<0.000000e+00> : vector<64x50000xf32>
    %dot_general3A_25 = tpu.matmul %get3A_24, %mul3A_21, %dot_general3A {dimension_numbers = #tpu.dot_dimension_numbers<[1], [0], [0], [1], [0, 0, 1, 1], [], []>, transpose_lhs_hint = false} : vector<64x4xf32>, vector<4x50000xf32>, vector<64x50000xf32> -> vector<64x50000xf32>
    %get3A_26 = arith.constant 0 : index
    %get3A_27 = arith.constant 0 : index
    %get3A_28 = vector.load %arg5[%get3A_26, %get3A_27] : memref<64x1xf32, #tpu.memory_space<vmem>>, vector<64x1xf32>
    %add3A_29 = vector.broadcast %get3A_28 : vector<64x1xf32> to vector<64x50000xf32>
    %add3A_30 = arith.addf %dot_general3A_25, %add3A_29 : vector<64x50000xf32>
    %get3A_31 = arith.constant 0 : index
    %get3A_32 = arith.constant 0 : index
    %get3A_33 = vector.load %arg6[%get3A_31, %get3A_32] : memref<32x64xf32, #tpu.memory_space<vmem>>, vector<32x64xf32>
    %dot_general3A_34 = arith.constant dense<0.000000e+00> : vector<32x50000xf32>
    %dot_general3A_35 = tpu.matmul %get3A_33, %add3A_30, %dot_general3A_34 {dimension_numbers = #tpu.dot_dimension_numbers<[1], [0], [0], [1], [0, 0, 1, 1], [], []>, transpose_lhs_hint = false} : vector<32x64xf32>, vector<64x50000xf32>, vector<32x50000xf32> -> vector<32x50000xf32>
    %get3A_36 = arith.constant 0 : index
    %get3A_37 = arith.constant 0 : index
    %get3A_38 = vector.load %arg7[%get3A_36, %get3A_37] : memref<32x1xf32, #tpu.memory_space<vmem>>, vector<32x1xf32>
    %get3A_39 = arith.constant 0 : index
    %get3A_40 = arith.constant 0 : index
    %get3A_41 = vector.load %arg3[%get3A_39, %get3A_40] : memref<1x50000xf32, #tpu.memory_space<vmem>>, vector<1x50000xf32>
    %mul3A_42 = vector.broadcast %get3A_38 : vector<32x1xf32> to vector<32x50000xf32>
    %mul3A_43 = vector.broadcast %get3A_41 : vector<1x50000xf32> to vector<32x50000xf32>
    %mul3A_44 = arith.mulf %mul3A_42, %mul3A_43 : vector<32x50000xf32>
    %add3A_45 = arith.addf %dot_general3A_35, %mul3A_44 : vector<32x50000xf32>
    %get3A_46 = arith.constant 0 : index
    %get3A_47 = arith.constant 0 : index
    %get3A_48 = vector.load %arg8[%get3A_46, %get3A_47] : memref<32x1xf32, #tpu.memory_space<vmem>>, vector<32x1xf32>
    %add3A_49 = vector.broadcast %get3A_48 : vector<32x1xf32> to vector<32x50000xf32>
    %add3A_50 = arith.addf %add3A_45, %add3A_49 : vector<32x50000xf32>
    %max3A = arith.constant 0.000000e+00 : f32
    %max3A_51 = vector.broadcast %max3A : f32 to vector<32x50000xf32>
    %max3A_52 = arith.maximumf %add3A_50, %max3A_51 : vector<32x50000xf32>
    %get3A_53 = arith.constant 0 : index
    %get3A_54 = arith.constant 0 : index
    %get3A_55 = vector.load %arg9[%get3A_53, %get3A_54] : memref<1x32xf32, #tpu.memory_space<vmem>>, vector<1x32xf32>
    %dot_general3A_56 = arith.constant dense<0.000000e+00> : vector<1x50000xf32>
    %dot_general3A_57 = tpu.matmul %get3A_55, %max3A_52, %dot_general3A_56 {dimension_numbers = #tpu.dot_dimension_numbers<[1], [0], [0], [1], [0, 0, 1, 1], [], []>, transpose_lhs_hint = false} : vector<1x32xf32>, vector<32x50000xf32>, vector<1x50000xf32> -> vector<1x50000xf32>
    %get3A_58 = arith.constant 0 : index
    %get3A_59 = arith.constant 0 : index
    %get3A_60 = vector.load %arg10[%get3A_58, %get3A_59] : memref<1x1xf32, #tpu.memory_space<vmem>>, vector<1x1xf32>
    %add3A_61 = vector.broadcast %get3A_60 : vector<1x1xf32> to vector<1x50000xf32>
    %add3A_62 = arith.addf %dot_general3A_57, %add3A_61 : vector<1x50000xf32>
    %logistic3A = arith.negf %add3A_62 : vector<1x50000xf32>
    %logistic3A_63 = math.exp %logistic3A : vector<1x50000xf32>
    %logistic3A_64 = arith.constant 1.000000e+00 : f32
    %logistic3A_65 = vector.broadcast %logistic3A_64 : f32 to vector<1x50000xf32>
    %logistic3A_66 = arith.addf %logistic3A_65, %logistic3A_63 : vector<1x50000xf32>
    %logistic3A_67 = arith.divf %logistic3A_65, %logistic3A_66 : vector<1x50000xf32>
    %swap3A = arith.constant 0 : index
    %swap3A_68 = arith.constant 0 : index
    %swap3A_69 = vector.load %arg11[%swap3A, %swap3A_68] : memref<1x50000xf32, #tpu.memory_space<vmem>>, vector<1x50000xf32>
    tpu.vector_store %arg11[%swap3A, %swap3A_68], %logistic3A_67 {strides = array<i32>} : memref<1x50000xf32, #tpu.memory_space<vmem>>, vector<1x50000xf32>,
    return
  }
}

</mosaic_0001>

<sc_bundles>
// kernel: kernel.6.cloned.1.call-start
scs
__scs_entry_jumppad:
0x0: {  	(pc) =	sbr.rel $0x88, $3  }
0x1: {  	(tag) =	ssettag $0x0;
	lr =	simm.s32 $0x1  }
0x2: {  	[smem:$0x3F98] =	sst lr;
	_ =	strace $0xD0000000  }
0x3: {  	_ = 	snop  }
0x4: {  	_ = 	snop  }
0x5: {  	_ = 	snop  }
0x6: {  	_ = 	snop  }
0x7: {  	_ = 	snop  }
__scs_overlays_trampoline_lowered:
0x8: {  	[smem:$0x3FA7] =	sst s0  }
0x9: {  	[smem:$0x3FA8] =	sst s1  }
0xa: {  	[smem:$0x3FA9] =	sst s2  }
0xb: {  	[smem:$0x3FAA] =	sst s3  }
0xc: {  	[smem:$0x3FAB] =	sst s4  }
0xd: {  	[smem:$0x3FAC] =	sst s5  }
0xe: {  	[smem:$0x3FAD] =	sst s6  }
0xf: {  	[smem:$0x3FAE] =	sst s7  }
0x10: {  	[smem:$0x3FAF] =	sst s8  }
0x11: {  	[smem:$0x3FB0] =	sst s9;
	s0 =	simm.s32 @!p0 $0x0  }
0x12: {  	s1 =	sld [smem:$0x3F96];
	s0 =	simm.s32 @p0 $0x1  }
0x13: {  	[smem:$0x3FB1] =	sst s0;
	s0 =	simm.s32 @!p1 $0x0  }
0x14: {  	s2 =	sld [smem:$0x3F95];
	s0 =	simm.s32 @p1 $0x1  }
0x15: {  	[smem:$0x3FB2] =	sst s0;
	s0 =	simm.s32 @!p2 $0x0  }
0x16: {  	s3 =	sld [smem:$0x3FDB];
	s0 =	simm.s32 @p2 $0x1  }
0x17: {  	s4 =	simm.s32 $0x1BF5;
	[smem:$0x3FB4] =	sst s0  }
0x18: {  	s0 =	sld [smem:$0x3F97];
	_ =	swait.ge [sflag:s4], $0x0  }
0x19: {  	s7 =	sld [smem:$0x3F98]  }
0x1a: {  	s8 =	sadd.s32 $0xFFFFE003, lr  }
0x1b: {  	s9 =	sadd.s32 $0xFFFFFEF7, lr;
	s5 =	simm.s32 $0xFFFFFFFF;
	p2 =	slt.u32 s8, $0xFFFFF086  }
0x1c: {  	p1 =	slt.u32 s9, $0xF7A;
	s5 =	simm.s32 @!p2 $0x0  }
0x1d: {  	s5 =	simm.s32 @p1 $0x1;
	p0 =	seq.s32 s7, s2  }
0x1e: {  	s7 =	smul.u32 @!p0 $0xF7A, s2;
	p2 =	seq.s32 @!p0 s5, $0x0  }
0x1f: {  	s9 =	smul.u32 $0xF7A, s1;
	s8 =	simm.s32 @!p0 $0x1BF5;
	p2 =	por !p2, p0  }
0x20: {  	[sflag:s8] =	ssyncset.s32 @!p0 $0xFFFFF086;
	s6 =	sadd.s32 @!p0 s3, s7;
	s7 =	simm.s32 @!p0 $0x108  }
0x21: {  	s3 =	sadd.s32 s3, s9;
	s6 =	sadd.s32 @!p0 $0x88, s6;
	s7 =	simm.s32 @p2 $0x1082  }
0x22: {  	[simem:s7], [sflag:s8] =	dma.local @!p0 [hbm:s6], $0xF7A  }
0x23: {  	s9 =	sor.u32 $0xD0000000, s2;
	s6 =	simm.s32 $0x108;
	_ =	swait.ge @!p0 [sflag:s8], $0x0  }
0x24: {  	s3 =	sadd.s32 $0x88, s3;
	s6 =	simm.s32 @!p1 $0x1082;
	[sflag:s4] =	ssyncset.s32 $0xFFFFF086  }
0x25: {  	[simem:s6], [sflag:s4] =	dma.local [hbm:s3], $0xF7A  }
0x26: {  	[smem:$0x3F98] =	sst s1;
	(tag) =	ssettag s2;
	_ =	strace s9  }
0x27: {  	s1 =	sld [smem:$0x3FA8]  }
0x28: {  	s2 =	sld [smem:$0x3FA9]  }
0x29: {  	s4 =	sld [smem:$0x3FAB]  }
0x2a: {  	p0 =	seq.s32 s5, $0x0;
	s5 =	sld [smem:$0x3FAC]  }
0x2b: {  	s6 =	sld [smem:$0x3FAD]  }
0x2c: {  	s7 =	sld [smem:$0x3FAE]  }
0x2d: {  	s3 =	simm.s32 $0x108;
	s8 =	sld [smem:$0x3FAF]  }
0x2e: {  	s3 =	simm.s32 @!p0 $0x1082;
	s9 =	sld [smem:$0x3FB0]  }
0x2f: {  	lr =	sadd.s32 s0, s3;
	s0 =	sld [smem:$0x3FA7]  }
0x30: {  	s3 =	sld [smem:$0x3FAA]  }
0x31: {  	[smem:$0x3FB3] =	sst s10  }
0x32: {  	s10 =	sld [smem:$0x3FB1];
	_ =	sdelay $0x3  }
0x33: {  	p0 =	seq.s32 s10, $0x1;
	s10 =	sld [smem:$0x3FB3];
	_ =	sdelay $0x3  }
0x34: {  	[smem:$0x3FB3] =	sst s10  }
0x35: {  	s10 =	sld [smem:$0x3FB2];
	_ =	sdelay $0x3  }
0x36: {  	p1 =	seq.s32 s10, $0x1;
	s10 =	sld [smem:$0x3FB3];
	_ =	sdelay $0x3  }
0x37: {  	[smem:$0x3FB3] =	sst s10  }
0x38: {  	s10 =	sld [smem:$0x3FB4]  }
0x39: {  	_ = 	snop;
	(pc) =	sbr.ind lr, $3  }
0x3a: {  	_ = 	snop  }
0x3b: {  	_ = 	snop  }
0x3c: {  	p2 =	seq.s32 s10, $0x1;
	s10 =	sld [smem:$0x3FB3]  }
0x3d: {  	_ =	shalt  }
0x3e: {  	_ =	shalt  }
0x3f: {  	_ =	shalt  }
0x40: {  	_ =	shalt  }
0x41: {  	_ =	shalt  }
0x42: {  	_ =	shalt  }
0x43: {  	_ =	shalt  }
0x44: {  	_ =	shalt  }
0x45: {  	_ =	shalt  }
0x46: {  	_ =	shalt  }
0x47: {  	_ =	shalt  }
0x48: {  	_ =	shalt  }
0x49: {  	_ =	shalt  }
0x4a: {  	_ =	shalt  }
0x4b: {  	_ =	shalt  }
0x4c: {  	_ =	shalt  }
0x4d: {  	_ =	shalt  }
0x4e: {  	_ =	shalt  }
0x4f: {  	_ =	shalt  }
0x50: {  	_ =	shalt  }
0x51: {  	_ =	shalt  }
0x52: {  	_ =	shalt  }
0x53: {  	_ =	shalt  }
0x54: {  	_ =	shalt  }
0x55: {  	_ =	shalt  }
0x56: {  	_ =	shalt  }
0x57: {  	_ =	shalt  }
0x58: {  	_ =	shalt  }
0x59: {  	_ =	shalt  }
0x5a: {  	_ =	shalt  }
0x5b: {  	_ =	shalt  }
0x5c: {  	_ =	shalt  }
0x5d: {  	_ =	shalt  }
0x5e: {  	_ =	shalt  }
0x5f: {  	_ =	shalt  }
0x60: {  	_ =	shalt  }
0x61: {  	_ =	shalt  }
0x62: {  	_ =	shalt  }
0x63: {  	_ =	shalt  }
0x64: {  	_ =	shalt  }
0x65: {  	_ =	shalt  }
0x66: {  	_ =	shalt  }
0x67: {  	_ =	shalt  }
0x68: {  	_ =	shalt  }
0x69: {  	_ =	shalt  }
0x6a: {  	_ =	shalt  }
0x6b: {  	_ =	shalt  }
0x6c: {  	_ =	shalt  }
0x6d: {  	_ =	shalt  }
0x6e: {  	_ =	shalt  }
0x6f: {  	_ =	shalt  }
0x70: {  	_ =	shalt  }
0x71: {  	_ =	shalt  }
0x72: {  	_ =	shalt  }
0x73: {  	_ =	shalt  }
0x74: {  	_ =	shalt  }
0x75: {  	_ =	shalt  }
0x76: {  	_ =	shalt  }
0x77: {  	_ =	shalt  }
0x78: {  	_ =	shalt  }
0x79: {  	_ =	shalt  }
0x7a: {  	_ =	shalt  }
0x7b: {  	_ =	shalt  }
0x7c: {  	_ =	shalt  }
0x7d: {  	_ =	shalt  }
0x7e: {  	_ =	shalt  }
0x7f: {  	_ =	shalt  }
0x80: {  	_ =	shalt  }
0x81: {  	_ =	shalt  }
0x82: {  	_ =	shalt  }
0x83: {  	_ =	shalt  }
0x84: {  	_ =	shalt  }
0x85: {  	_ =	shalt  }
0x86: {  	_ =	shalt  }
0x87: {  	_ =	shalt  }
.Lfunc_end0:
.L_simem_size_0:
called_computation_lowered:
.L_overlay_start_0:
0x88: {  	s2 =	sld [smem:$0x3FD9]  }
0x89: {  	s3 =	sld [smem:$0x3FFE];
	_ =	sdelay $0x1  }
0x8a: {  	s1 =	srdreg.scid  }
0x8b: {  	s0 =	sand.u32 $0x1, s1  }
0x8c: {  	s16 =	sshll.u32 s0, $0xA;
	s2 =	sadd.s32 s3, s2  }
0x8d: {  	s2 =	sadd.s32 s2, s16  }
0x8e: {  	[smem:$0x3FBF] =	sst s2  }
0x8f: {  	_ = 	snop  }
0x90: {  	(tm) =	ssettm $0x1  }
0x91: {  	s17 =	sld [smem:$0x3FFB];
	_ =	sdelay $0x3  }
0x92: {  	_ =	strace s17  }
0x93: {  	s2 =	sld [smem:$0x3FFC];
	_ =	sdelay $0x3  }
0x94: {  	_ =	strace s2  }
0x95: {  	s2 =	sld [smem:$0x3FFD];
	_ =	sdelay $0x3  }
0x96: {  	_ =	strace s2  }
0x97: {  	_ =	strace $0x8FFFFFFF  }
0x98: {  	s18 =	sld [smem:$0x3FDB];
	_ =	sdelay $0x1  }
0x99: {  	s19 =	simm.s32 $_scs_section_size  }
0x9a: {  	s4 =	simm.s32 $_size__tile_overlayer_lowered;
	s5 =	simm.s32 $_tile_overlayer_lowered  }
0x9b: {  	s22 =	simm.s32 $0x1BFF;
	s21 =	sshll.u32 s5, $0x1;
	s2 =	sadd.s32 s19, s18  }
0x9c: {  	s6 =	simm.s32 $0x0;
	s20 =	sshll.u32 s4, $0x1;
	s4 =	sadd.s32 s21, s2  }
0x9d: {  	[timem:s6], [sflag:s22] =	dma.local [hbm:s4], s20  }
0x9e: {  	_ =	swait.ge [sflag:s22], s20  }
0x9f: {  	s3 =	ssub.s32 $0x0, s20;
	[sflag:s22] =	ssyncset.done $0x0  }
0xa0: {  	[sflag:s22] =	ssyncadd.s32 s3;
	_ =	sdelay $0x1  }
0xa1: {  	s23 =	simm.s32 $0x1B8B  }
0xa2: {  	_ =	swait.ge [sflag:s23], $0x1  }
0xa3: {  	[sflag:s23] =	ssyncset.done $0x0  }
0xa4: {  	s25 =	simm.s32 $0x1B8E;
	s24 =	sld [smem:$0x3FFE];
	[sflag:s23] =	ssyncadd.s32 $0xFFFFFFFF  }
0xa5: {  	s26 =	simm.s32 $execute0_lowered;
	[smem:$0x3FD2] =	sst s25  }
0xa6: {  	s4 =	sshll.u32 s26, $0x1;
	_ =	strace $0x80000046;
	[dreg:$0x1] =	wrdreg $0xFFFFFFFF  }
0xa7: {  	s28 =	simm.s32 $_size_execute0_lowered;
	s2 =	sadd.s32 s2, s4;
	[dreg:$0x0] =	wrdreg $0x0  }
0xa8: {  	s4 =	sshll.u32 s28, $0x1;
	[dreg:$0x2] =	wrdreg s2  }
0xa9: {  	[dreg:$0x3] =	wrdreg s4  }
0xaa: {  	[dreg:$0x4] =	wrdreg $0xC0  }
0xab: {  	_ =	task [dreg:s6], $0x5FFFF  }
0xac: {  	[dreg:$0x1] =	wrdreg $0xFFFFFFFF  }
0xad: {  	[dreg:$0x0] =	wrdreg $0x60  }
0xae: {  	[dreg:$0x2] =	wrdreg s24  }
0xaf: {  	[dreg:$0x3] =	wrdreg $0x9  }
0xb0: {  	_ =	task.clear_ibuf [dreg:s6], $0x4FFFF;
	_ =	strace $0x90000046  }
0xb1: {  	s29 =	simm.s32 $0x9;
	_ =	strace $0x80000048  }
0xb2: {  	_ =	swait.ge [sflag:s29], $0x1  }
0xb3: {  	[sflag:s29] =	ssyncadd.s32 $0xFFFFFFFF  }
0xb4: {  	_ =	strace $0x90000048  }
0xb5: {  	_ =	sfence  }
0xb6: {  	s30 =	sld [smem:$0x0];
	_ =	sdelay $0x2  }
0xb7: {  	s31 =	sshll.u32 s1, $0xD;
	s1 =	sshrl.u32 s1, $0x2  }
0xb8: {  	s3 =	sand.u32 $0x4000, s31;
	s1 =	sadd.s32 s1, s30  }
0xb9: {  	s0 =	sor.u32 s3, s0;
	s1 =	sshll.u32 s1, $0x11  }
0xba: {  	s0 =	sor.u32 s1, s0  }
0xbb: {  	s0 =	sadd.s32 $0x8F2B, s0  }
0xbc: {  	[sflag:s0] =	ssyncadd.remote.s32 $0x1  }
0xbd: {  	_ =	sfence.sel $0xFFFF  }
0xbe: {  	[dreg:$0x0] =	wrdreg $0xFFFFFFFF;
	(pc) =	sbr.abs _section_cstart, $3  }
0xbf: {  	[dreg:$0x1] =	wrdreg $0xFFFFFFFF  }
0xc0: {  	_ =	task.clear_ibuf [dreg:s6], $0x2FFFF;
	_ =	strace $0x9FFFFFFF  }
0xc1: {  	(tm) =	ssettm $0x7FFFFFFF  }
tec
execute0_lowered:
.L_overlay_start_1:
0x0: {  	(tag) =	ssettag $0x1  }
0x1: {  	s0 =	srdreg.scid;
	s5 =	rddreg [dreg:$0x0];
	s2 =	simm.s32 $0x0  }
0x2: {  	s10 =	simm.s32 $0x1;
	s11 =	simm.s32 $0x1000;
	s12 =	simm.s32 $0x2  }
0x3: {  	s13 =	simm.s32 $0x80;
	s14 =	simm.s32 $0x400;
	s4 =	sand.u32 $0x1, s0  }
0x4: {  	s15 =	simm.s32 $0x3;
	s0 =	stileid.u32;
	s1 =	sshll.u32 s4, $0x4  }
0x5: {  	[smem:$0x7FF] =	sst s2;
	s7 =	sshll.u32 s0, $0x7;
	s3 =	sor.u32 s0, s1  }
0x6: {  	s9 =	ssub.s32 $0x2, s4;
	s6 =	sshrl.u32 s3, $0x3;
	s8 =	smul.u32 $0xC350, s3  }
0x7: {  	s1 =	rddreg [dreg:$0x1];
	_ =	strace $0x80000047;
	s6 =	smul.u32 $0x61C00, s6  }
0x8: {  	s7 =	sand.u32 $0x380, s7;
	s3 =	sadd.s32 $0x2000, s5;
	s28 =	sshrl.u32 s8, $0x3  }
0x9: {  	s31 =	sshrl.u32 s9, $0x1;
	s6 =	sor.u32 s7, s6;
	s29 =	sadd.s32 s3, s28  }
0xa: {  	s9 =	ssub.s32 s9, s31;
	s6 =	sshrl.u32 s6, $0x3;
	s4 =	sadd.s32 $0x30D40, s29  }
0xb: {  	s30 =	sadd.s32 s6, s5;
	s5 =	sadd.s32 $0x1871D0, s8;
	s6 =	sadd.s32 $0x1879A0, s8  }
0xc: {  	v0 =	vimm.f32 $0.0e+00;
	v1 =	vimm.f32 $1.000000000e+00;
	s8 =	smax.u32 s9, $0x1;
	s9 =	simm.s32 $0x800;
	s7 =	sadd.s32 $0x63C00, s30  }
.LBB2_1:
0xd: {  	s16 =	simm.s32 $0x1040  }
0xe: {  	[tilespmem:s16+$0xFFFFFFC0] =	vst v0  }
0xf: {  	[tilespmem:s16+$0x30] =	vst v0  }
0x10: {  	[tilespmem:s16+$0x20] =	vst v0  }
0x11: {  	[tilespmem:s16+$0x10] =	vst v0  }
0x12: {  	[tilespmem:s16+$0x0] =	vst v0  }
0x13: {  	[tilespmem:s16+$0xFFFFFFF0] =	vst v0  }
0x14: {  	s17 =	simm.s32 $0x0;
	[tilespmem:s16+$0xFFFFFFE0] =	vst v0  }
.LBB2_2:
0x15: {  	s17 =	sadd.s32 $0x8, s17;
	[tilespmem:s16+$0xFFFFFFD0] =	vst v0;
	s16 =	sadd.s32 $0x80, s16  }
0x16: {  	[tilespmem:s16+$0xFFFFFFC0] =	vst v0;
	p0 =	slt.u32 s17, $0xC28  }
0x17: {  	[tilespmem:s16+$0x30] =	vst v0  }
.Ltmp0:
0x18: {  	[tilespmem:s16+$0x20] =	vst v0;
	(pc) =	sbr.rel @p0 .LBB2_2-.Ltmp0, $4  }
0x19: {  	[tilespmem:s16+$0x10] =	vst v0  }
0x1a: {  	[tilespmem:s16+$0x0] =	vst v0  }
0x1b: {  	[tilespmem:s16+$0xFFFFFFF0] =	vst v0  }
0x1c: {  	[tilespmem:s16+$0xFFFFFFE0] =	vst v0  }
0x1d: {  	[tilespmem:s16+$0xFFFFFFD0] =	vst v0  }
0x1e: {  	[tilespmem:$0xD300] =	vst v0  }
0x1f: {  	[tilespmem:$0xD310] =	vst v0  }
0x20: {  	[tilespmem:$0xD320] =	vst v0  }
0x21: {  	[tilespmem:$0xD330] =	vst v0  }
0x22: {  	s16 =	simm.s32 $0x0;
	s17 =	simm.s32 $0x0;
	[tilespmem:$0xD340] =	vst v0  }
0x23: {  	[tilespmem:s16], [sflag:$0x1] =	stream.linear.gather [hbm4b:s4+s16], $0x7D0, $0x38;
	[tilespmem:$0xD380] =	vst v63  }
.LBB2_4:
0x24: {  	s18 =	smul.u32 $0xFA0, s17;
	_ =	sdelay $0x1  }
0x25: {  	s19 =	sadd.s32 s18, s5  }
0x26: {  	s19 =	sshrl.u32 s19, $0x3  }
0x27: {  	s19 =	sadd.s32 s3, s19  }
0x28: {  	[tilespmem:s9], [sflag:$0x2] =	stream.linear.gather [hbm4b:s19+s16], $0x7D0, $0x38;
	[tilespmem:$0xD380] =	vst v63  }
0x29: {  	_ =	swait.ge [sflag:s10], $0x7D0  }
0x2a: {  	[sflag:s10] =	ssyncset.done $0x0  }
0x2b: {  	s31 =	simm.s32 $0x0;
	[sflag:s10] =	ssyncadd.s32 $0xFFFFF830  }
0x2c: {  	v3 =	vld [tilespmem:s31+$0x0]  }
0x2d: {  	v4 =	vld [tilespmem:s31+$0x10]  }
0x2e: {  	v5 =	vld [tilespmem:s31+$0x20]  }
0x2f: {  	v6 =	vld [tilespmem:s31+$0x30];
	_ =	sdelay $0x1  }
0x30: {  	v2 =	vld [tilespmem:s31+$0x40];
	_ =	sdelay $0x2  }
0x31: {  	[tilespmem:v3+s11+$0x0] =	vst.idx.add.f32.msk $0xffff, v1  }
0x32: {  	[tilespmem:v4+s11+$0x0] =	vst.idx.add.f32.msk $0xffff, v1  }
0x33: {  	[tilespmem:v5+s11+$0x0] =	vst.idx.add.f32.msk $0xffff, v1  }
0x34: {  	s20 =	simm.s32 $0x280;
	s19 =	simm.s32 $0x140;
	[tilespmem:v6+s11+$0x0] =	vst.idx.add.f32.msk $0xffff, v1  }
.LBB2_5:
0x35: {  	p0 =	sne.s32 s20, $0x1E00  }
0x36: {  	s21 =	sshra.s32 s19, $0x2;
	[tilespmem:v2+s11+$0x0] =	vst.idx.add.f32.msk $0xffff, v1;
	s19 =	smov.u32 s20;
	s20 =	sadd.s32 $0x140, s20  }
0x37: {  	v3 =	vld [tilespmem:s21+$0x0]  }
0x38: {  	v4 =	vld [tilespmem:s21+$0x10]  }
0x39: {  	v5 =	vld [tilespmem:s21+$0x20]  }
0x3a: {  	v6 =	vld [tilespmem:s21+$0x30]  }
0x3b: {  	v2 =	vld [tilespmem:s21+$0x40];
	_ =	sdelay $0x2  }
.Ltmp1:
0x3c: {  	(pc) =	sbr.rel @p0 .LBB2_5-.Ltmp1, $4  }
0x3d: {  	[tilespmem:v3+s11+$0x0] =	vst.idx.add.f32.msk $0xffff, v1  }
0x3e: {  	[tilespmem:v4+s11+$0x0] =	vst.idx.add.f32.msk $0xffff, v1  }
0x3f: {  	[tilespmem:v5+s11+$0x0] =	vst.idx.add.f32.msk $0xffff, v1  }
0x40: {  	[tilespmem:v6+s11+$0x0] =	vst.idx.add.f32.msk $0xffff, v1  }
0x41: {  	_ =	sdelay $0x3  }
0x42: {  	s19 =	sshra.s32 s19, $0x2;
	[tilespmem:v2+s11+$0x0] =	vst.idx.add.f32.msk $0xffff, v1  }
0x43: {  	v2 =	vld [tilespmem:s19+$0x0]  }
0x44: {  	v3 =	vld [tilespmem:s19+$0x10]  }
0x45: {  	v4 =	vld [tilespmem:s19+$0x20]  }
0x46: {  	v5 =	vld [tilespmem:s19+$0x30]  }
0x47: {  	v6 =	vld [tilespmem:s19+$0x40];
	_ =	sdelay $0x3  }
0x48: {  	[tilespmem:v2+s11+$0x0] =	vst.idx.add.f32.msk $0xffff, v1  }
0x49: {  	[tilespmem:v3+s11+$0x0] =	vst.idx.add.f32.msk $0xffff, v1  }
0x4a: {  	s18 =	sadd.s32 s18, s6;
	[tilespmem:v4+s11+$0x0] =	vst.idx.add.f32.msk $0xffff, v1  }
0x4b: {  	s18 =	sshrl.u32 s18, $0x3;
	[tilespmem:v5+s11+$0x0] =	vst.idx.add.f32.msk $0xffff, v1  }
0x4c: {  	s30 =	simm.s32 $0x0;
	s18 =	sadd.s32 s3, s18;
	[tilespmem:v6+s11+$0x0] =	vst.idx.add.f32.msk $0xffff, v1  }
0x4d: {  	[tilespmem:s30], [sflag:$0x1] =	stream.linear.gather [hbm4b:s18+s30], $0x7D0, $0x38;
	[tilespmem:$0xD380] =	vst v63  }
0x4e: {  	_ =	swait.ge [sflag:s12], $0x7D0  }
0x4f: {  	[sflag:s12] =	ssyncset.done $0x0  }
0x50: {  	s31 =	simm.s32 $0x0;
	[sflag:s12] =	ssyncadd.s32 $0xFFFFF830  }
0x51: {  	v3 =	vld [tilespmem:s31+$0x800]  }
0x52: {  	v61 =	vld [tilespmem:s31+$0x810]  }
0x53: {  	v62 =	vld [tilespmem:s31+$0x820]  }
0x54: {  	v63 =	vld [tilespmem:s31+$0x830];
	_ =	sdelay $0x1  }
0x55: {  	v2 =	vld [tilespmem:s31+$0x840];
	_ =	sdelay $0x2  }
0x56: {  	[tilespmem:v3+s11+$0x0] =	vst.idx.add.f32.msk $0xffff, v1  }
0x57: {  	[tilespmem:v61+s11+$0x0] =	vst.idx.add.f32.msk $0xffff, v1  }
0x58: {  	[tilespmem:v62+s11+$0x0] =	vst.idx.add.f32.msk $0xffff, v1  }
0x59: {  	s19 =	simm.s32 $0x280;
	s18 =	simm.s32 $0x140;
	[tilespmem:v63+s11+$0x0] =	vst.idx.add.f32.msk $0xffff, v1  }
.LBB2_7:
0x5a: {  	p0 =	sne.s32 s19, $0x1E00  }
0x5b: {  	s20 =	sshra.s32 s18, $0x2;
	[tilespmem:v2+s11+$0x0] =	vst.idx.add.f32.msk $0xffff, v1;
	s18 =	smov.u32 s19;
	s19 =	sadd.s32 $0x140, s19  }
0x5c: {  	v3 =	vld [tilespmem:s20+$0x800]  }
0x5d: {  	v4 =	vld [tilespmem:s20+$0x810]  }
0x5e: {  	v5 =	vld [tilespmem:s20+$0x820]  }
0x5f: {  	v6 =	vld [tilespmem:s20+$0x830]  }
0x60: {  	v2 =	vld [tilespmem:s20+$0x840];
	_ =	sdelay $0x2  }
.Ltmp2:
0x61: {  	(pc) =	sbr.rel @p0 .LBB2_7-.Ltmp2, $4  }
0x62: {  	[tilespmem:v3+s11+$0x0] =	vst.idx.add.f32.msk $0xffff, v1  }
0x63: {  	[tilespmem:v4+s11+$0x0] =	vst.idx.add.f32.msk $0xffff, v1  }
0x64: {  	[tilespmem:v5+s11+$0x0] =	vst.idx.add.f32.msk $0xffff, v1  }
0x65: {  	[tilespmem:v6+s11+$0x0] =	vst.idx.add.f32.msk $0xffff, v1  }
0x66: {  	_ =	sdelay $0x3  }
0x67: {  	s18 =	sshra.s32 s18, $0x2;
	[tilespmem:v2+s11+$0x0] =	vst.idx.add.f32.msk $0xffff, v1  }
0x68: {  	v2 =	vld [tilespmem:s18+$0x800]  }
0x69: {  	v3 =	vld [tilespmem:s18+$0x810]  }
0x6a: {  	v4 =	vld [tilespmem:s18+$0x820]  }
0x6b: {  	v5 =	vld [tilespmem:s18+$0x830]  }
0x6c: {  	v6 =	vld [tilespmem:s18+$0x840];
	_ =	sdelay $0x1  }
0x6d: {  	s17 =	sadd.s32 $0x1, s17  }
0x6e: {  	p0 =	sne.s32 s17, $0xC  }
.Ltmp3:
0x6f: {  	[tilespmem:v2+s11+$0x0] =	vst.idx.add.f32.msk $0xffff, v1;
	(pc) =	sbr.rel @p0 .LBB2_4-.Ltmp3, $4  }
0x70: {  	[tilespmem:v3+s11+$0x0] =	vst.idx.add.f32.msk $0xffff, v1  }
0x71: {  	[tilespmem:v4+s11+$0x0] =	vst.idx.add.f32.msk $0xffff, v1  }
0x72: {  	[tilespmem:v5+s11+$0x0] =	vst.idx.add.f32.msk $0xffff, v1  }
0x73: {  	[tilespmem:v6+s11+$0x0] =	vst.idx.add.f32.msk $0xffff, v1  }
0x74: {  	_ =	swait.ge [sflag:s10], $0x7D0  }
0x75: {  	[sflag:s10] =	ssyncset.done $0x0  }
0x76: {  	s16 =	simm.s32 $0x0;
	[sflag:s10] =	ssyncadd.s32 $0xFFFFF830  }
0x77: {  	v3 =	vld [tilespmem:s16+$0x0]  }
0x78: {  	v4 =	vld [tilespmem:s16+$0x10]  }
0x79: {  	v5 =	vld [tilespmem:s16+$0x20]  }
0x7a: {  	v6 =	vld [tilespmem:s16+$0x30];
	_ =	sdelay $0x1  }
0x7b: {  	v2 =	vld [tilespmem:s16+$0x40];
	_ =	sdelay $0x2  }
0x7c: {  	[tilespmem:v3+s11+$0x0] =	vst.idx.add.f32.msk $0xffff, v1  }
0x7d: {  	[tilespmem:v4+s11+$0x0] =	vst.idx.add.f32.msk $0xffff, v1  }
0x7e: {  	[tilespmem:v5+s11+$0x0] =	vst.idx.add.f32.msk $0xffff, v1  }
0x7f: {  	s17 =	simm.s32 $0x280;
	s16 =	simm.s32 $0x140;
	[tilespmem:v6+s11+$0x0] =	vst.idx.add.f32.msk $0xffff, v1  }
.LBB2_10:
0x80: {  	p0 =	sne.s32 s17, $0x1E00  }
0x81: {  	s18 =	sshra.s32 s16, $0x2;
	[tilespmem:v2+s11+$0x0] =	vst.idx.add.f32.msk $0xffff, v1;
	s16 =	smov.u32 s17;
	s17 =	sadd.s32 $0x140, s17  }
0x82: {  	v3 =	vld [tilespmem:s18+$0x0]  }
0x83: {  	v4 =	vld [tilespmem:s18+$0x10]  }
0x84: {  	v5 =	vld [tilespmem:s18+$0x20]  }
0x85: {  	v6 =	vld [tilespmem:s18+$0x30]  }
0x86: {  	v2 =	vld [tilespmem:s18+$0x40];
	_ =	sdelay $0x2  }
.Ltmp4:
0x87: {  	(pc) =	sbr.rel @p0 .LBB2_10-.Ltmp4, $4  }
0x88: {  	[tilespmem:v3+s11+$0x0] =	vst.idx.add.f32.msk $0xffff, v1  }
0x89: {  	[tilespmem:v4+s11+$0x0] =	vst.idx.add.f32.msk $0xffff, v1  }
0x8a: {  	[tilespmem:v5+s11+$0x0] =	vst.idx.add.f32.msk $0xffff, v1  }
0x8b: {  	[tilespmem:v6+s11+$0x0] =	vst.idx.add.f32.msk $0xffff, v1  }
0x8c: {  	_ =	sdelay $0x3  }
0x8d: {  	s16 =	sshra.s32 s16, $0x2;
	[tilespmem:v2+s11+$0x0] =	vst.idx.add.f32.msk $0xffff, v1  }
0x8e: {  	v2 =	vld [tilespmem:s16+$0x0]  }
0x8f: {  	v3 =	vld [tilespmem:s16+$0x10]  }
0x90: {  	v4 =	vld [tilespmem:s16+$0x20]  }
0x91: {  	v5 =	vld [tilespmem:s16+$0x30]  }
0x92: {  	v6 =	vld [tilespmem:s16+$0x40];
	_ =	sdelay $0x3  }
0x93: {  	[tilespmem:v2+s11+$0x0] =	vst.idx.add.f32.msk $0xffff, v1  }
0x94: {  	[tilespmem:v3+s11+$0x0] =	vst.idx.add.f32.msk $0xffff, v1  }
0x95: {  	s2 =	sadd.s32 $0x1, s2;
	[tilespmem:v4+s11+$0x0] =	vst.idx.add.f32.msk $0xffff, v1  }
0x96: {  	p0 =	sne.s32 s2, s8;
	[tilespmem:v5+s11+$0x0] =	vst.idx.add.f32.msk $0xffff, v1  }
.Ltmp5:
0x97: {  	[tilespmem:v6+s11+$0x0] =	vst.idx.add.f32.msk $0xffff, v1;
	(pc) =	sbr.rel @p0 .LBB2_1-.Ltmp5, $4  }
0x98: {  	[hbm4b:s7+s13] =	stream.strided.scatter [tilespmem:s11], [sflag:$0x3], $0xC380, s14, s13, $0x38;
	[tilespmem:$0xD380] =	vst v63  }
0x99: {  	_ =	swait.ge [sflag:s15], $0xC380  }
0x9a: {  	[sflag:s15] =	ssyncset.done $0x0  }
0x9b: {  	[sflag:s15] =	ssyncadd.s32 $0xFFFF3C80  }
0x9c: {  	_ =	sfence.sel $0x180000  }
0x9d: {  	[bflag:$0x0] =	sbarrier.arrive $0xFFFF  }
0x9e: {  	p0 =	sne.s32 s0, $0x0;
	_ =	strace $0x90000047  }
0x9f: {  	s0 =	sadd.s32 @!p0 $0x100000, s1;
	[bflag:$0x2] =	sbarrier.arrive $0xFFFF  }
0xa0: {  	[sflag:s0] =	ssyncadd.tile.s32 @!p0 $0x1;
	_ =	shalt  }
.Lfunc_end2:
_tile_overlayer_lowered:
.L_overlay_start_2:
0xa1: {  	(tag) =	ssettag $0x2  }
0xa2: {  	s0 =	rddreg [dreg:$0x0];
	s2 =	stileid.u32  }
0xa3: {  	s1 =	rddreg [dreg:$0x1];
	p0 =	sne.s32 s2, $0x0  }
0xa4: {  	s3 =	rddreg [dreg:$0x2];
	[bflag:$0x3] =	sbarrier.arrive $0xFFFF;
	s2 =	simm.s32 @!p0 $0x1C03  }
0xa5: {  	[timem:s3], [sflag:s2] =	dma.local @!p0 [hbm:s0], s1  }
0xa6: {  	s0 =	simm.s32 @!p0 $0x3  }
0xa7: {  	_ =	swait.ge @!p0 [sflag:s0], s1  }
0xa8: {  	s1 =	ssub.s32 @!p0 $0x0, s1;
	[sflag:s0] =	ssyncset.done @!p0 $0x0  }
0xa9: {  	[sflag:s0] =	ssyncadd.s32 @!p0 s1  }
0xaa: {  	[bflag:$0x3] =	sbarrier.arrive $0xFFFF  }
0xab: {  	_ =	shalt  }

// kernel: kernel.9.cloned.1.call-start
scs
__scs_entry_jumppad:
0x0: {  	(pc) =	sbr.rel $0x88, $3  }
0x1: {  	(tag) =	ssettag $0x0;
	lr =	simm.s32 $0x1  }
0x2: {  	[smem:$0x3F98] =	sst lr;
	_ =	strace $0xD0000000  }
0x3: {  	_ = 	snop  }
0x4: {  	_ = 	snop  }
0x5: {  	_ = 	snop  }
0x6: {  	_ = 	snop  }
0x7: {  	_ = 	snop  }
__scs_overlays_trampoline_lowered:
0x8: {  	[smem:$0x3FA7] =	sst s0  }
0x9: {  	[smem:$0x3FA8] =	sst s1  }
0xa: {  	[smem:$0x3FA9] =	sst s2  }
0xb: {  	[smem:$0x3FAA] =	sst s3  }
0xc: {  	[smem:$0x3FAB] =	sst s4  }
0xd: {  	[smem:$0x3FAC] =	sst s5  }
0xe: {  	[smem:$0x3FAD] =	sst s6  }
0xf: {  	[smem:$0x3FAE] =	sst s7  }
0x10: {  	[smem:$0x3FAF] =	sst s8  }
0x11: {  	[smem:$0x3FB0] =	sst s9;
	s0 =	simm.s32 @!p0 $0x0  }
0x12: {  	s1 =	sld [smem:$0x3F96];
	s0 =	simm.s32 @p0 $0x1  }
0x13: {  	[smem:$0x3FB1] =	sst s0;
	s0 =	simm.s32 @!p1 $0x0  }
0x14: {  	s2 =	sld [smem:$0x3F95];
	s0 =	simm.s32 @p1 $0x1  }
0x15: {  	[smem:$0x3FB2] =	sst s0;
	s0 =	simm.s32 @!p2 $0x0  }
0x16: {  	s3 =	sld [smem:$0x3FDB];
	s0 =	simm.s32 @p2 $0x1  }
0x17: {  	s4 =	simm.s32 $0x1BF5;
	[smem:$0x3FB4] =	sst s0  }
0x18: {  	s0 =	sld [smem:$0x3F97];
	_ =	swait.ge [sflag:s4], $0x0  }
0x19: {  	s7 =	sld [smem:$0x3F98]  }
0x1a: {  	s8 =	sadd.s32 $0xFFFFE003, lr  }
0x1b: {  	s9 =	sadd.s32 $0xFFFFFEF7, lr;
	s5 =	simm.s32 $0xFFFFFFFF;
	p2 =	slt.u32 s8, $0xFFFFF086  }
0x1c: {  	p1 =	slt.u32 s9, $0xF7A;
	s5 =	simm.s32 @!p2 $0x0  }
0x1d: {  	s5 =	simm.s32 @p1 $0x1;
	p0 =	seq.s32 s7, s2  }
0x1e: {  	s7 =	smul.u32 @!p0 $0xF7A, s2;
	p2 =	seq.s32 @!p0 s5, $0x0  }
0x1f: {  	s9 =	smul.u32 $0xF7A, s1;
	s8 =	simm.s32 @!p0 $0x1BF5;
	p2 =	por !p2, p0  }
0x20: {  	[sflag:s8] =	ssyncset.s32 @!p0 $0xFFFFF086;
	s6 =	sadd.s32 @!p0 s3, s7;
	s7 =	simm.s32 @!p0 $0x108  }
0x21: {  	s3 =	sadd.s32 s3, s9;
	s6 =	sadd.s32 @!p0 $0x88, s6;
	s7 =	simm.s32 @p2 $0x1082  }
0x22: {  	[simem:s7], [sflag:s8] =	dma.local @!p0 [hbm:s6], $0xF7A  }
0x23: {  	s9 =	sor.u32 $0xD0000000, s2;
	s6 =	simm.s32 $0x108;
	_ =	swait.ge @!p0 [sflag:s8], $0x0  }
0x24: {  	s3 =	sadd.s32 $0x88, s3;
	s6 =	simm.s32 @!p1 $0x1082;
	[sflag:s4] =	ssyncset.s32 $0xFFFFF086  }
0x25: {  	[simem:s6], [sflag:s4] =	dma.local [hbm:s3], $0xF7A  }
0x26: {  	[smem:$0x3F98] =	sst s1;
	(tag) =	ssettag s2;
	_ =	strace s9  }
0x27: {  	s1 =	sld [smem:$0x3FA8]  }
0x28: {  	s2 =	sld [smem:$0x3FA9]  }
0x29: {  	s4 =	sld [smem:$0x3FAB]  }
0x2a: {  	p0 =	seq.s32 s5, $0x0;
	s5 =	sld [smem:$0x3FAC]  }
0x2b: {  	s6 =	sld [smem:$0x3FAD]  }
0x2c: {  	s7 =	sld [smem:$0x3FAE]  }
0x2d: {  	s3 =	simm.s32 $0x108;
	s8 =	sld [smem:$0x3FAF]  }
0x2e: {  	s3 =	simm.s32 @!p0 $0x1082;
	s9 =	sld [smem:$0x3FB0]  }
0x2f: {  	lr =	sadd.s32 s0, s3;
	s0 =	sld [smem:$0x3FA7]  }
0x30: {  	s3 =	sld [smem:$0x3FAA]  }
0x31: {  	[smem:$0x3FB3] =	sst s10  }
0x32: {  	s10 =	sld [smem:$0x3FB1];
	_ =	sdelay $0x3  }
0x33: {  	p0 =	seq.s32 s10, $0x1;
	s10 =	sld [smem:$0x3FB3];
	_ =	sdelay $0x3  }
0x34: {  	[smem:$0x3FB3] =	sst s10  }
0x35: {  	s10 =	sld [smem:$0x3FB2];
	_ =	sdelay $0x3  }
0x36: {  	p1 =	seq.s32 s10, $0x1;
	s10 =	sld [smem:$0x3FB3];
	_ =	sdelay $0x3  }
0x37: {  	[smem:$0x3FB3] =	sst s10  }
0x38: {  	s10 =	sld [smem:$0x3FB4]  }
0x39: {  	_ = 	snop;
	(pc) =	sbr.ind lr, $3  }
0x3a: {  	_ = 	snop  }
0x3b: {  	_ = 	snop  }
0x3c: {  	p2 =	seq.s32 s10, $0x1;
	s10 =	sld [smem:$0x3FB3]  }
0x3d: {  	_ =	shalt  }
0x3e: {  	_ =	shalt  }
0x3f: {  	_ =	shalt  }
0x40: {  	_ =	shalt  }
0x41: {  	_ =	shalt  }
0x42: {  	_ =	shalt  }
0x43: {  	_ =	shalt  }
0x44: {  	_ =	shalt  }
0x45: {  	_ =	shalt  }
0x46: {  	_ =	shalt  }
0x47: {  	_ =	shalt  }
0x48: {  	_ =	shalt  }
0x49: {  	_ =	shalt  }
0x4a: {  	_ =	shalt  }
0x4b: {  	_ =	shalt  }
0x4c: {  	_ =	shalt  }
0x4d: {  	_ =	shalt  }
0x4e: {  	_ =	shalt  }
0x4f: {  	_ =	shalt  }
0x50: {  	_ =	shalt  }
0x51: {  	_ =	shalt  }
0x52: {  	_ =	shalt  }
0x53: {  	_ =	shalt  }
0x54: {  	_ =	shalt  }
0x55: {  	_ =	shalt  }
0x56: {  	_ =	shalt  }
0x57: {  	_ =	shalt  }
0x58: {  	_ =	shalt  }
0x59: {  	_ =	shalt  }
0x5a: {  	_ =	shalt  }
0x5b: {  	_ =	shalt  }
0x5c: {  	_ =	shalt  }
0x5d: {  	_ =	shalt  }
0x5e: {  	_ =	shalt  }
0x5f: {  	_ =	shalt  }
0x60: {  	_ =	shalt  }
0x61: {  	_ =	shalt  }
0x62: {  	_ =	shalt  }
0x63: {  	_ =	shalt  }
0x64: {  	_ =	shalt  }
0x65: {  	_ =	shalt  }
0x66: {  	_ =	shalt  }
0x67: {  	_ =	shalt  }
0x68: {  	_ =	shalt  }
0x69: {  	_ =	shalt  }
0x6a: {  	_ =	shalt  }
0x6b: {  	_ =	shalt  }
0x6c: {  	_ =	shalt  }
0x6d: {  	_ =	shalt  }
0x6e: {  	_ =	shalt  }
0x6f: {  	_ =	shalt  }
0x70: {  	_ =	shalt  }
0x71: {  	_ =	shalt  }
0x72: {  	_ =	shalt  }
0x73: {  	_ =	shalt  }
0x74: {  	_ =	shalt  }
0x75: {  	_ =	shalt  }
0x76: {  	_ =	shalt  }
0x77: {  	_ =	shalt  }
0x78: {  	_ =	shalt  }
0x79: {  	_ =	shalt  }
0x7a: {  	_ =	shalt  }
0x7b: {  	_ =	shalt  }
0x7c: {  	_ =	shalt  }
0x7d: {  	_ =	shalt  }
0x7e: {  	_ =	shalt  }
0x7f: {  	_ =	shalt  }
0x80: {  	_ =	shalt  }
0x81: {  	_ =	shalt  }
0x82: {  	_ =	shalt  }
0x83: {  	_ =	shalt  }
0x84: {  	_ =	shalt  }
0x85: {  	_ =	shalt  }
0x86: {  	_ =	shalt  }
0x87: {  	_ =	shalt  }
.Lfunc_end0:
.L_simem_size_0:
called_computation.1_lowered:
.L_overlay_start_0:
0x88: {  	s2 =	sld [smem:$0x3FD9]  }
0x89: {  	s3 =	sld [smem:$0x3FFE];
	_ =	sdelay $0x1  }
0x8a: {  	s1 =	srdreg.scid  }
0x8b: {  	s0 =	sand.u32 $0x1, s1  }
0x8c: {  	s16 =	sshll.u32 s0, $0xA;
	s2 =	sadd.s32 s3, s2  }
0x8d: {  	s2 =	sadd.s32 s2, s16  }
0x8e: {  	[smem:$0x3FBF] =	sst s2  }
0x8f: {  	_ = 	snop  }
0x90: {  	(tm) =	ssettm $0x1  }
0x91: {  	s17 =	sld [smem:$0x3FFB];
	_ =	sdelay $0x3  }
0x92: {  	_ =	strace s17  }
0x93: {  	s2 =	sld [smem:$0x3FFC];
	_ =	sdelay $0x3  }
0x94: {  	_ =	strace s2  }
0x95: {  	s2 =	sld [smem:$0x3FFD];
	_ =	sdelay $0x3  }
0x96: {  	_ =	strace s2  }
0x97: {  	_ =	strace $0x8FFFFFFF  }
0x98: {  	s18 =	sld [smem:$0x3FDB];
	_ =	sdelay $0x1  }
0x99: {  	s19 =	simm.s32 $_scs_section_size  }
0x9a: {  	s4 =	simm.s32 $_size__tile_overlayer_lowered;
	s5 =	simm.s32 $_tile_overlayer_lowered  }
0x9b: {  	s22 =	simm.s32 $0x1BFF;
	s21 =	sshll.u32 s5, $0x1;
	s2 =	sadd.s32 s19, s18  }
0x9c: {  	s6 =	simm.s32 $0x0;
	s20 =	sshll.u32 s4, $0x1;
	s4 =	sadd.s32 s21, s2  }
0x9d: {  	[timem:s6], [sflag:s22] =	dma.local [hbm:s4], s20  }
0x9e: {  	_ =	swait.ge [sflag:s22], s20  }
0x9f: {  	s3 =	ssub.s32 $0x0, s20;
	[sflag:s22] =	ssyncset.done $0x0  }
0xa0: {  	[sflag:s22] =	ssyncadd.s32 s3;
	_ =	sdelay $0x1  }
0xa1: {  	s23 =	simm.s32 $0x1B8B  }
0xa2: {  	_ =	swait.ge [sflag:s23], $0x1  }
0xa3: {  	[sflag:s23] =	ssyncset.done $0x0  }
0xa4: {  	s25 =	simm.s32 $0x1B8E;
	s24 =	sld [smem:$0x3FFE];
	[sflag:s23] =	ssyncadd.s32 $0xFFFFFFFF  }
0xa5: {  	s26 =	simm.s32 $execute0_lowered;
	[smem:$0x3FD2] =	sst s25  }
0xa6: {  	s4 =	sshll.u32 s26, $0x1;
	_ =	strace $0x80000049;
	[dreg:$0x1] =	wrdreg $0xFFFFFFFF  }
0xa7: {  	s28 =	simm.s32 $_size_execute0_lowered;
	s2 =	sadd.s32 s2, s4;
	[dreg:$0x0] =	wrdreg $0x0  }
0xa8: {  	s4 =	sshll.u32 s28, $0x1;
	[dreg:$0x2] =	wrdreg s2  }
0xa9: {  	[dreg:$0x3] =	wrdreg s4  }
0xaa: {  	[dreg:$0x4] =	wrdreg $0xC0  }
0xab: {  	_ =	task [dreg:s6], $0x5FFFF  }
0xac: {  	[dreg:$0x1] =	wrdreg $0xFFFFFFFF  }
0xad: {  	[dreg:$0x0] =	wrdreg $0x60  }
0xae: {  	[dreg:$0x2] =	wrdreg s24  }
0xaf: {  	[dreg:$0x3] =	wrdreg $0x9  }
0xb0: {  	_ =	task.clear_ibuf [dreg:s6], $0x4FFFF;
	_ =	strace $0x90000049  }
0xb1: {  	s29 =	simm.s32 $0x9;
	_ =	strace $0x8000004B  }
0xb2: {  	_ =	swait.ge [sflag:s29], $0x1  }
0xb3: {  	[sflag:s29] =	ssyncadd.s32 $0xFFFFFFFF  }
0xb4: {  	_ =	strace $0x9000004B  }
0xb5: {  	_ =	sfence  }
0xb6: {  	s30 =	sld [smem:$0x0];
	_ =	sdelay $0x2  }
0xb7: {  	s31 =	sshll.u32 s1, $0xD;
	s1 =	sshrl.u32 s1, $0x2  }
0xb8: {  	s3 =	sand.u32 $0x4000, s31;
	s1 =	sadd.s32 s1, s30  }
0xb9: {  	s0 =	sor.u32 s3, s0;
	s1 =	sshll.u32 s1, $0x11  }
0xba: {  	s0 =	sor.u32 s1, s0  }
0xbb: {  	s0 =	sadd.s32 $0x8F2B, s0  }
0xbc: {  	[sflag:s0] =	ssyncadd.remote.s32 $0x1  }
0xbd: {  	_ =	sfence.sel $0xFFFF  }
0xbe: {  	[dreg:$0x0] =	wrdreg $0xFFFFFFFF;
	(pc) =	sbr.abs _section_cstart, $3  }
0xbf: {  	[dreg:$0x1] =	wrdreg $0xFFFFFFFF  }
0xc0: {  	_ =	task.clear_ibuf [dreg:s6], $0x2FFFF;
	_ =	strace $0x9FFFFFFF  }
0xc1: {  	(tm) =	ssettm $0x7FFFFFFF  }
tec
execute0_lowered:
.L_overlay_start_1:
0x0: {  	(tag) =	ssettag $0x1  }
0x1: {  	s0 =	srdreg.scid;
	s7 =	rddreg [dreg:$0x0]  }
0x2: {  	s4 =	simm.s32 $0x1;
	s2 =	simm.s32 $0x0;
	s13 =	simm.s32 $0x200  }
0x3: {  	s14 =	simm.s32 $0x4000;
	s15 =	simm.s32 $0x3;
	s16 =	simm.s32 $0x2000  }
0x4: {  	s17 =	simm.s32 $0x1000;
	s18 =	simm.s32 $0x3000;
	s19 =	simm.s32 $0x10380  }
0x5: {  	s20 =	simm.s32 $0x2;
	s21 =	simm.s32 $0x400;
	s6 =	sand.u32 $0x1, s0  }
0x6: {  	s0 =	stileid.u32;
	[smem:$0x7FF] =	sst s2;
	s1 =	sshll.u32 s6, $0x4  }
0x7: {  	s5 =	sand.u32 $0x7, s0;
	s11 =	sshll.u32 s0, $0x7;
	s3 =	sor.u32 s0, s1  }
0x8: {  	s26 =	ssub.s32 $0x2, s6;
	p1 =	sne.s32 s5, $0x0;
	p0 =	seq.s32 s3, $0x0  }
0x9: {  	s1 =	rddreg [dreg:$0x1];
	_ =	strace $0x8000004A;
	p0 =	por !p1, !p0  }
0xa: {  	s25 =	sand.u32 $0x380, s11;
	s5 =	smul.u32 $0x30D40, s5;
	p0 =	por !p0, !p0  }
0xb: {  	s29 =	sshrl.u32 s26, $0x1;
	s8 =	sshrl.u32 s3, $0x3;
	s4 =	simm.s32 @!p0 $0x0  }
0xc: {  	s3 =	sadd.s32 $0x2000, s7;
	s12 =	ssub.s32 s26, s29;
	s4 =	ssub.s32 s8, s4  }
0xd: {  	s6 =	sadd.s32 $0x186A00, s5;
	s8 =	smul.u32 $0x61C00, s8;
	s9 =	sshrl.u32 s4, $0x2  }
0xe: {  	s30 =	sshrl.u32 s5, $0x3;
	s4 =	sshll.u32 s4, $0x7;
	s9 =	smul.u32 $0x30E00, s9  }
0xf: {  	s11 =	smax.u32 s12, $0x1;
	s12 =	simm.s32 $0x80;
	s10 =	sand.u32 $0x180, s4  }
0x10: {  	s31 =	sshrl.u32 s6, $0x3;
	s8 =	sor.u32 s25, s8;
	s9 =	sor.u32 s10, s9  }
0x11: {  	s4 =	simm.s32 $0x1;
	s8 =	sshrl.u32 s8, $0x3;
	s9 =	sshrl.u32 s9, $0x3  }
0x12: {  	s28 =	sadd.s32 s8, s7;
	s8 =	sadd.s32 s3, s30;
	s9 =	sadd.s32 s9, s7  }
0x13: {  	v0 =	vimm.f32 $0.0e+00;
	s10 =	sadd.s32 $0x69E00, s28;
	s7 =	sadd.s32 $0x63C00, s9;
	s9 =	sadd.s32 s3, s31  }
.LBB2_1:
0x14: {  	s22 =	simm.s32 $0x103C0  }
0x15: {  	[tilespmem:s22+$0xFFFFFFC0] =	vst v0  }
0x16: {  	[tilespmem:s22+$0x30] =	vst v0  }
0x17: {  	[tilespmem:s22+$0x20] =	vst v0  }
0x18: {  	[tilespmem:s22+$0x10] =	vst v0  }
0x19: {  	[tilespmem:s22+$0x0] =	vst v0  }
0x1a: {  	[tilespmem:s22+$0xFFFFFFF0] =	vst v0  }
0x1b: {  	s23 =	simm.s32 $0x0;
	[tilespmem:s22+$0xFFFFFFE0] =	vst v0  }
.LBB2_2:
0x1c: {  	s23 =	sadd.s32 $0x8, s23;
	[tilespmem:s22+$0xFFFFFFD0] =	vst v0;
	s22 =	sadd.s32 $0x80, s22  }
0x1d: {  	[tilespmem:s22+$0xFFFFFFC0] =	vst v0;
	p0 =	slt.u32 s23, $0xC28  }
0x1e: {  	[tilespmem:s22+$0x30] =	vst v0  }
.Ltmp0:
0x1f: {  	[tilespmem:s22+$0x20] =	vst v0;
	(pc) =	sbr.rel @p0 .LBB2_2-.Ltmp0, $4  }
0x20: {  	[tilespmem:s22+$0x10] =	vst v0  }
0x21: {  	[tilespmem:s22+$0x0] =	vst v0  }
0x22: {  	[tilespmem:s22+$0xFFFFFFF0] =	vst v0  }
0x23: {  	[tilespmem:s22+$0xFFFFFFE0] =	vst v0  }
0x24: {  	[tilespmem:s22+$0xFFFFFFD0] =	vst v0  }
0x25: {  	[tilespmem:$0x1C680] =	vst v0  }
0x26: {  	[tilespmem:$0x1C690] =	vst v0  }
0x27: {  	[tilespmem:$0x1C6A0] =	vst v0  }
0x28: {  	[tilespmem:$0x1C6B0] =	vst v0  }
0x29: {  	[tilespmem:$0x1C6C0] =	vst v0  }
0x2a: {  	[tilespmem:s14], [sflag:$0x3] =	stream.strided.gather [hbm4b:s7+s12], $0xC380, s13, s12, $0x38;
	[tilespmem:$0x1C700] =	vst v63  }
0x2b: {  	_ =	swait.ge [sflag:s15], $0xC380  }
0x2c: {  	[sflag:s15] =	ssyncset.done $0x0  }
0x2d: {  	s22 =	simm.s32 $0x0;
	[sflag:s15] =	ssyncadd.s32 $0xFFFF3C80  }
0x2e: {  	[tilespmem:s22], [sflag:$0x1] =	stream.linear.gather [hbm4b:s8+s22], $0xFA0, $0x38;
	[tilespmem:$0x1C700] =	vst v63  }
0x2f: {  	s23 =	simm.s32 $0x0  }
0x30: {  	[tilespmem:s16], [sflag:$0x1] =	stream.linear.gather [hbm4b:s9+s22], $0xFA0, $0x38;
	[tilespmem:$0x1C700] =	vst v63  }
.LBB2_4:
0x31: {  	s24 =	smul.u32 $0x1F40, s23;
	_ =	sdelay $0x1  }
0x32: {  	s25 =	sadd.s32 $0xFA0, s24  }
0x33: {  	s26 =	sadd.s32 s5, s25  }
0x34: {  	s25 =	sadd.s32 s6, s25;
	s26 =	sshrl.u32 s26, $0x3  }
0x35: {  	s25 =	sshrl.u32 s25, $0x3;
	s26 =	sadd.s32 s3, s26  }
0x36: {  	[tilespmem:s17], [sflag:$0x2] =	stream.linear.gather [hbm4b:s26+s22], $0xFA0, $0x38;
	[tilespmem:$0x1C700] =	vst v63  }
0x37: {  	s25 =	sadd.s32 s3, s25  }
0x38: {  	[tilespmem:s18], [sflag:$0x2] =	stream.linear.gather [hbm4b:s25+s22], $0xFA0, $0x38;
	[tilespmem:$0x1C700] =	vst v63  }
0x39: {  	_ =	swait.ge [sflag:s4], $0xFA0  }
0x3a: {  	[sflag:s4] =	ssyncset.done $0x0  }
0x3b: {  	[sflag:s4] =	ssyncadd.s32 $0xFFFFF060  }
0x3c: {  	_ =	swait.ge [sflag:s4], $0xFA0  }
0x3d: {  	[sflag:s4] =	ssyncset.done $0x0  }
0x3e: {  	s25 =	simm.s32 $0x2050;
	[sflag:s4] =	ssyncadd.s32 $0xFFFFF060  }
0x3f: {  	v1 =	vld [tilespmem:s25+$0x40]  }
0x40: {  	v3 =	vld [tilespmem:s25+$0x20]  }
0x41: {  	v2 =	vld [tilespmem:s25+$0x10]  }
0x42: {  	v4 =	vld [tilespmem:s25+$0x0]  }
0x43: {  	v5 =	vld [tilespmem:s25+$0xFFFFFFF0]  }
0x44: {  	s26 =	simm.s32 $0x50;
	v6 =	vld [tilespmem:s25+$0xFFFFFFE0]  }
0x45: {  	v7 =	vld [tilespmem:s26+$0x40]  }
0x46: {  	v8 =	vld [tilespmem:s26+$0xFFFFFFB0]  }
0x47: {  	v9 =	vld [tilespmem:s26+$0x20]  }
0x48: {  	v10 =	vld [tilespmem:s26+$0x10]  }
0x49: {  	v11 =	vld [tilespmem:s26+$0xFFFFFFC0]  }
0x4a: {  	v12 =	vld [tilespmem:s25+$0xFFFFFFD0]  }
0x4b: {  	v13 =	vld [tilespmem:s26+$0xFFFFFFD0]  }
0x4c: {  	v14 =	vld [tilespmem:s25+$0xFFFFFFB0]  }
0x4d: {  	v15 =	vld [tilespmem:s26+$0xFFFFFFE0]  }
0x4e: {  	v16 =	vld [tilespmem:s25+$0xFFFFFFC0]  }
0x4f: {  	v17 =	vld [tilespmem:s26+$0xFFFFFFF0]  }
0x50: {  	v18 =	vld [tilespmem:s26+$0x0]  }
0x51: {  	s28 =	sand.u32 $0x1FE0, s22;
	v8 =	vld.idx.msk [tilespmem:v8+s14+$0x0], $0xffff  }
0x52: {  	v19 =	vld [tilespmem:s28+$0x2080]  }
0x53: {  	v11 =	vld.idx.msk [tilespmem:v11+s14+$0x0], $0xffff  }
0x54: {  	v20 =	vld [tilespmem:s28+$0x80]  }
0x55: {  	v13 =	vld.idx.msk [tilespmem:v13+s14+$0x0], $0xffff  }
0x56: {  	[tilespmem:v14+s19+$0x0] =	vst.idx.add.f32.msk $0xffff, v8  }
0x57: {  	v8 =	vld.idx.msk [tilespmem:v15+s14+$0x0], $0xffff  }
0x58: {  	[tilespmem:v16+s19+$0x0] =	vst.idx.add.f32.msk $0xffff, v11  }
0x59: {  	v11 =	vld.idx.msk [tilespmem:v17+s14+$0x0], $0xffff  }
0x5a: {  	[tilespmem:v12+s19+$0x0] =	vst.idx.add.f32.msk $0xffff, v13  }
0x5b: {  	v12 =	vld.idx.msk [tilespmem:v18+s14+$0x0], $0xffff  }
0x5c: {  	[tilespmem:v6+s19+$0x0] =	vst.idx.add.f32.msk $0xffff, v8  }
0x5d: {  	v6 =	vld.idx.msk [tilespmem:v10+s14+$0x0], $0xffff  }
0x5e: {  	[tilespmem:v5+s19+$0x0] =	vst.idx.add.f32.msk $0xffff, v11  }
0x5f: {  	v5 =	vld.idx.msk [tilespmem:v9+s14+$0x0], $0xffff  }
0x60: {  	[tilespmem:v4+s19+$0x0] =	vst.idx.add.f32.msk $0xffff, v12  }
0x61: {  	v4 =	vld.idx.msk [tilespmem:v20+s14+$0x0], $0xffff;
	_ =	sdelay $0x1  }
0x62: {  	[tilespmem:v2+s19+$0x0] =	vst.idx.add.f32.msk $0xffff, v6  }
0x63: {  	v2 =	vld.idx.msk [tilespmem:v7+s14+$0x0], $0xffff  }
0x64: {  	[tilespmem:v3+s19+$0x0] =	vst.idx.add.f32.msk $0xffff, v5  }
0x65: {  	s28 =	simm.s32 $0xA0;
	[tilespmem:v19+s19+$0x0] =	vst.idx.add.f32.msk $0xffff, v4  }
.LBB2_5:
0x66: {  	p0 =	sne.s32 s28, $0xF00;
	s25 =	sadd.s32 $0xA0, s25;
	s26 =	sadd.s32 $0xA0, s26  }
0x67: {  	s29 =	smov.u32 s28;
	s28 =	sadd.s32 $0xA0, s28  }
0x68: {  	[tilespmem:v1+s19+$0x0] =	vst.idx.add.f32.msk $0xffff, v2  }
0x69: {  	v1 =	vld [tilespmem:s25+$0x40]  }
0x6a: {  	v3 =	vld [tilespmem:s25+$0x20]  }
0x6b: {  	v2 =	vld [tilespmem:s25+$0x10]  }
0x6c: {  	v4 =	vld [tilespmem:s25+$0x0]  }
0x6d: {  	v5 =	vld [tilespmem:s25+$0xFFFFFFF0]  }
0x6e: {  	v6 =	vld [tilespmem:s25+$0xFFFFFFE0]  }
0x6f: {  	v7 =	vld [tilespmem:s26+$0x40]  }
0x70: {  	v8 =	vld [tilespmem:s26+$0xFFFFFFB0]  }
0x71: {  	v9 =	vld [tilespmem:s26+$0x20]  }
0x72: {  	v10 =	vld [tilespmem:s26+$0x10]  }
0x73: {  	v11 =	vld [tilespmem:s26+$0xFFFFFFC0]  }
0x74: {  	v12 =	vld [tilespmem:s25+$0xFFFFFFD0]  }
0x75: {  	v13 =	vld [tilespmem:s26+$0xFFFFFFD0]  }
0x76: {  	v14 =	vld [tilespmem:s25+$0xFFFFFFB0]  }
0x77: {  	v15 =	vld [tilespmem:s26+$0xFFFFFFE0]  }
0x78: {  	v8 =	vld.idx.msk [tilespmem:v8+s14+$0x0], $0xffff  }
0x79: {  	v16 =	vld [tilespmem:s25+$0xFFFFFFC0]  }
0x7a: {  	v17 =	vld [tilespmem:s26+$0xFFFFFFF0]  }
0x7b: {  	v11 =	vld.idx.msk [tilespmem:v11+s14+$0x0], $0xffff  }
0x7c: {  	s29 =	sand.u32 $0x1FE0, s29;
	v18 =	vld [tilespmem:s26+$0x0]  }
0x7d: {  	v13 =	vld.idx.msk [tilespmem:v13+s14+$0x0], $0xffff  }
0x7e: {  	v19 =	vld [tilespmem:s29+$0x2080]  }
0x7f: {  	v20 =	vld [tilespmem:s29+$0x80]  }
0x80: {  	[tilespmem:v14+s19+$0x0] =	vst.idx.add.f32.msk $0xffff, v8  }
0x81: {  	v8 =	vld.idx.msk [tilespmem:v15+s14+$0x0], $0xffff  }
0x82: {  	[tilespmem:v16+s19+$0x0] =	vst.idx.add.f32.msk $0xffff, v11  }
0x83: {  	v11 =	vld.idx.msk [tilespmem:v17+s14+$0x0], $0xffff  }
0x84: {  	[tilespmem:v12+s19+$0x0] =	vst.idx.add.f32.msk $0xffff, v13  }
0x85: {  	v12 =	vld.idx.msk [tilespmem:v18+s14+$0x0], $0xffff;
	_ =	sdelay $0x1  }
0x86: {  	[tilespmem:v6+s19+$0x0] =	vst.idx.add.f32.msk $0xffff, v8  }
0x87: {  	v6 =	vld.idx.msk [tilespmem:v10+s14+$0x0], $0xffff  }
0x88: {  	[tilespmem:v5+s19+$0x0] =	vst.idx.add.f32.msk $0xffff, v11  }
0x89: {  	v5 =	vld.idx.msk [tilespmem:v9+s14+$0x0], $0xffff  }
0x8a: {  	[tilespmem:v4+s19+$0x0] =	vst.idx.add.f32.msk $0xffff, v12  }
0x8b: {  	v4 =	vld.idx.msk [tilespmem:v20+s14+$0x0], $0xffff;
	_ =	sdelay $0x1  }
.Ltmp1:
0x8c: {  	[tilespmem:v2+s19+$0x0] =	vst.idx.add.f32.msk $0xffff, v6;
	(pc) =	sbr.rel @p0 .LBB2_5-.Ltmp1, $3  }
0x8d: {  	v2 =	vld.idx.msk [tilespmem:v7+s14+$0x0], $0xffff  }
0x8e: {  	[tilespmem:v3+s19+$0x0] =	vst.idx.add.f32.msk $0xffff, v5;
	_ =	sdelay $0x1  }
0x8f: {  	[tilespmem:v19+s19+$0x0] =	vst.idx.add.f32.msk $0xffff, v4  }
0x90: {  	p0 =	seq.s32 s23, $0x18  }
0x91: {  	s24 =	sadd.s32 @!p0 $0x1F40, s24  }
0x92: {  	s25 =	sadd.s32 @!p0 s5, s24  }
0x93: {  	s24 =	sadd.s32 @!p0 s6, s24;
	s25 =	sshrl.u32 @!p0 s25, $0x3  }
0x94: {  	[tilespmem:v1+s19+$0x0] =	vst.idx.add.f32.msk $0xffff, v2;
	s26 =	simm.s32 @!p0 $0x0;
	s24 =	sshrl.u32 @!p0 s24, $0x3;
	s25 =	sadd.s32 @!p0 s3, s25  }
0x95: {  	[tilespmem:s26], [sflag:$0x1] =	stream.linear.gather @!p0 [hbm4b:s25+s26], $0xFA0, $0x38;
	[tilespmem:$0x1C700] =	vst v63  }
0x96: {  	s24 =	sadd.s32 @!p0 s3, s24;
	s25 =	simm.s32 @!p0 $0x2000  }
0x97: {  	[tilespmem:s25], [sflag:$0x1] =	stream.linear.gather @!p0 [hbm4b:s24+s26], $0xFA0, $0x38;
	[tilespmem:$0x1C700] =	vst v63  }
0x98: {  	_ =	swait.ge [sflag:s20], $0xFA0  }
0x99: {  	[sflag:s20] =	ssyncset.done $0x0  }
0x9a: {  	[sflag:s20] =	ssyncadd.s32 $0xFFFFF060  }
0x9b: {  	_ =	swait.ge [sflag:s20], $0xFA0  }
0x9c: {  	[sflag:s20] =	ssyncset.done $0x0  }
0x9d: {  	s24 =	simm.s32 $0x3050;
	[sflag:s20] =	ssyncadd.s32 $0xFFFFF060  }
0x9e: {  	v1 =	vld [tilespmem:s24+$0x40]  }
0x9f: {  	v3 =	vld [tilespmem:s24+$0x20]  }
0xa0: {  	v2 =	vld [tilespmem:s24+$0x10]  }
0xa1: {  	v4 =	vld [tilespmem:s24+$0x0]  }
0xa2: {  	v5 =	vld [tilespmem:s24+$0xFFFFFFF0]  }
0xa3: {  	s25 =	simm.s32 $0x1050;
	v6 =	vld [tilespmem:s24+$0xFFFFFFE0]  }
0xa4: {  	v7 =	vld [tilespmem:s25+$0x40]  }
0xa5: {  	v8 =	vld [tilespmem:s25+$0xFFFFFFB0]  }
0xa6: {  	v9 =	vld [tilespmem:s25+$0x20]  }
0xa7: {  	v10 =	vld [tilespmem:s25+$0x10]  }
0xa8: {  	v11 =	vld [tilespmem:s25+$0xFFFFFFC0]  }
0xa9: {  	v12 =	vld [tilespmem:s24+$0xFFFFFFD0]  }
0xaa: {  	v13 =	vld [tilespmem:s25+$0xFFFFFFD0]  }
0xab: {  	v14 =	vld [tilespmem:s24+$0xFFFFFFB0]  }
0xac: {  	v15 =	vld [tilespmem:s25+$0xFFFFFFE0]  }
0xad: {  	v16 =	vld [tilespmem:s24+$0xFFFFFFC0]  }
0xae: {  	v17 =	vld [tilespmem:s25+$0xFFFFFFF0]  }
0xaf: {  	s31 =	simm.s32 $0x0;
	v18 =	vld [tilespmem:s25+$0x0]  }
0xb0: {  	s26 =	sand.u32 $0x1FE0, s31;
	v8 =	vld.idx.msk [tilespmem:v8+s14+$0x0], $0xffff  }
0xb1: {  	v19 =	vld [tilespmem:s26+$0x3080]  }
0xb2: {  	v11 =	vld.idx.msk [tilespmem:v11+s14+$0x0], $0xffff  }
0xb3: {  	v20 =	vld [tilespmem:s26+$0x1080]  }
0xb4: {  	v13 =	vld.idx.msk [tilespmem:v13+s14+$0x0], $0xffff  }
0xb5: {  	[tilespmem:v14+s19+$0x0] =	vst.idx.add.f32.msk $0xffff, v8  }
0xb6: {  	v8 =	vld.idx.msk [tilespmem:v15+s14+$0x0], $0xffff  }
0xb7: {  	[tilespmem:v16+s19+$0x0] =	vst.idx.add.f32.msk $0xffff, v11  }
0xb8: {  	v11 =	vld.idx.msk [tilespmem:v17+s14+$0x0], $0xffff  }
0xb9: {  	[tilespmem:v12+s19+$0x0] =	vst.idx.add.f32.msk $0xffff, v13  }
0xba: {  	v12 =	vld.idx.msk [tilespmem:v18+s14+$0x0], $0xffff  }
0xbb: {  	[tilespmem:v6+s19+$0x0] =	vst.idx.add.f32.msk $0xffff, v8  }
0xbc: {  	v6 =	vld.idx.msk [tilespmem:v10+s14+$0x0], $0xffff  }
0xbd: {  	[tilespmem:v5+s19+$0x0] =	vst.idx.add.f32.msk $0xffff, v11  }
0xbe: {  	v5 =	vld.idx.msk [tilespmem:v9+s14+$0x0], $0xffff  }
0xbf: {  	[tilespmem:v4+s19+$0x0] =	vst.idx.add.f32.msk $0xffff, v12  }
0xc0: {  	v4 =	vld.idx.msk [tilespmem:v20+s14+$0x0], $0xffff;
	_ =	sdelay $0x1  }
0xc1: {  	[tilespmem:v2+s19+$0x0] =	vst.idx.add.f32.msk $0xffff, v6  }
0xc2: {  	v2 =	vld.idx.msk [tilespmem:v7+s14+$0x0], $0xffff  }
0xc3: {  	[tilespmem:v3+s19+$0x0] =	vst.idx.add.f32.msk $0xffff, v5  }
0xc4: {  	s26 =	simm.s32 $0xA0;
	[tilespmem:v19+s19+$0x0] =	vst.idx.add.f32.msk $0xffff, v4  }
.LBB2_7:
0xc5: {  	p0 =	sne.s32 s26, $0xF00;
	s24 =	sadd.s32 $0xA0, s24;
	s25 =	sadd.s32 $0xA0, s25  }
0xc6: {  	s28 =	smov.u32 s26;
	s26 =	sadd.s32 $0xA0, s26  }
0xc7: {  	[tilespmem:v1+s19+$0x0] =	vst.idx.add.f32.msk $0xffff, v2  }
0xc8: {  	v1 =	vld [tilespmem:s24+$0x40]  }
0xc9: {  	v3 =	vld [tilespmem:s24+$0x20]  }
0xca: {  	v2 =	vld [tilespmem:s24+$0x10]  }
0xcb: {  	v4 =	vld [tilespmem:s24+$0x0]  }
0xcc: {  	v5 =	vld [tilespmem:s24+$0xFFFFFFF0]  }
0xcd: {  	v6 =	vld [tilespmem:s24+$0xFFFFFFE0]  }
0xce: {  	v7 =	vld [tilespmem:s25+$0x40]  }
0xcf: {  	v8 =	vld [tilespmem:s25+$0xFFFFFFB0]  }
0xd0: {  	v9 =	vld [tilespmem:s25+$0x20]  }
0xd1: {  	v10 =	vld [tilespmem:s25+$0x10]  }
0xd2: {  	v11 =	vld [tilespmem:s25+$0xFFFFFFC0]  }
0xd3: {  	v12 =	vld [tilespmem:s24+$0xFFFFFFD0]  }
0xd4: {  	v13 =	vld [tilespmem:s25+$0xFFFFFFD0]  }
0xd5: {  	v14 =	vld [tilespmem:s24+$0xFFFFFFB0]  }
0xd6: {  	v15 =	vld [tilespmem:s25+$0xFFFFFFE0]  }
0xd7: {  	v8 =	vld.idx.msk [tilespmem:v8+s14+$0x0], $0xffff  }
0xd8: {  	v16 =	vld [tilespmem:s24+$0xFFFFFFC0]  }
0xd9: {  	v17 =	vld [tilespmem:s25+$0xFFFFFFF0]  }
0xda: {  	v11 =	vld.idx.msk [tilespmem:v11+s14+$0x0], $0xffff  }
0xdb: {  	s28 =	sand.u32 $0x1FE0, s28;
	v18 =	vld [tilespmem:s25+$0x0]  }
0xdc: {  	v13 =	vld.idx.msk [tilespmem:v13+s14+$0x0], $0xffff  }
0xdd: {  	v19 =	vld [tilespmem:s28+$0x3080]  }
0xde: {  	v20 =	vld [tilespmem:s28+$0x1080]  }
0xdf: {  	[tilespmem:v14+s19+$0x0] =	vst.idx.add.f32.msk $0xffff, v8  }
0xe0: {  	v8 =	vld.idx.msk [tilespmem:v15+s14+$0x0], $0xffff  }
0xe1: {  	[tilespmem:v16+s19+$0x0] =	vst.idx.add.f32.msk $0xffff, v11  }
0xe2: {  	v11 =	vld.idx.msk [tilespmem:v17+s14+$0x0], $0xffff  }
0xe3: {  	[tilespmem:v12+s19+$0x0] =	vst.idx.add.f32.msk $0xffff, v13  }
0xe4: {  	v12 =	vld.idx.msk [tilespmem:v18+s14+$0x0], $0xffff;
	_ =	sdelay $0x1  }
0xe5: {  	[tilespmem:v6+s19+$0x0] =	vst.idx.add.f32.msk $0xffff, v8  }
0xe6: {  	v6 =	vld.idx.msk [tilespmem:v10+s14+$0x0], $0xffff  }
0xe7: {  	[tilespmem:v5+s19+$0x0] =	vst.idx.add.f32.msk $0xffff, v11  }
0xe8: {  	v5 =	vld.idx.msk [tilespmem:v9+s14+$0x0], $0xffff  }
0xe9: {  	[tilespmem:v4+s19+$0x0] =	vst.idx.add.f32.msk $0xffff, v12  }
0xea: {  	v4 =	vld.idx.msk [tilespmem:v20+s14+$0x0], $0xffff;
	_ =	sdelay $0x1  }
.Ltmp2:
0xeb: {  	[tilespmem:v2+s19+$0x0] =	vst.idx.add.f32.msk $0xffff, v6;
	(pc) =	sbr.rel @p0 .LBB2_7-.Ltmp2, $3  }
0xec: {  	v2 =	vld.idx.msk [tilespmem:v7+s14+$0x0], $0xffff  }
0xed: {  	[tilespmem:v3+s19+$0x0] =	vst.idx.add.f32.msk $0xffff, v5;
	_ =	sdelay $0x1  }
0xee: {  	[tilespmem:v19+s19+$0x0] =	vst.idx.add.f32.msk $0xffff, v4  }
0xef: {  	s23 =	sadd.s32 $0x1, s23  }
0xf0: {  	p0 =	sne.s32 s23, $0x19  }
.Ltmp3:
0xf1: {  	_ = 	snop;
	(pc) =	sbr.rel @p0 .LBB2_4-.Ltmp3, $2  }
0xf2: {  	_ =	sdelay $0x2  }
0xf3: {  	[tilespmem:v1+s19+$0x0] =	vst.idx.add.f32.msk $0xffff, v2  }
0xf4: {  	s2 =	sadd.s32 $0x1, s2  }
0xf5: {  	p0 =	sne.s32 s2, s11  }
.Ltmp4:
0xf6: {  	_ = 	snop;
	(pc) =	sbr.rel @p0 .LBB2_1-.Ltmp4, $4  }
0xf7: {  	[hbm4b:s10+s12] =	stream.strided.scatter [tilespmem:s19], [sflag:$0x3], $0xC380, s21, s12, $0x38;
	[tilespmem:$0x1C700] =	vst v63  }
0xf8: {  	_ =	swait.ge [sflag:s15], $0xC380  }
0xf9: {  	[sflag:s15] =	ssyncset.done $0x0  }
0xfa: {  	[sflag:s15] =	ssyncadd.s32 $0xFFFF3C80  }
0xfb: {  	_ =	sfence.sel $0x180000  }
0xfc: {  	[bflag:$0x0] =	sbarrier.arrive $0xFFFF  }
0xfd: {  	p0 =	sne.s32 s0, $0x0;
	_ =	strace $0x9000004A  }
0xfe: {  	s0 =	sadd.s32 @!p0 $0x100000, s1;
	[bflag:$0x2] =	sbarrier.arrive $0xFFFF  }
0xff: {  	[sflag:s0] =	ssyncadd.tile.s32 @!p0 $0x1;
	_ =	shalt  }
.Lfunc_end2:
_tile_overlayer_lowered:
.L_overlay_start_2:
0x100: {  	(tag) =	ssettag $0x2  }
0x101: {  	s0 =	rddreg [dreg:$0x0];
	s2 =	stileid.u32  }
0x102: {  	s1 =	rddreg [dreg:$0x1];
	p0 =	sne.s32 s2, $0x0  }
0x103: {  	s3 =	rddreg [dreg:$0x2];
	[bflag:$0x3] =	sbarrier.arrive $0xFFFF;
	s2 =	simm.s32 @!p0 $0x1C03  }
0x104: {  	[timem:s3], [sflag:s2] =	dma.local @!p0 [hbm:s0], s1  }
0x105: {  	s0 =	simm.s32 @!p0 $0x3  }
0x106: {  	_ =	swait.ge @!p0 [sflag:s0], s1  }
0x107: {  	s1 =	ssub.s32 @!p0 $0x0, s1;
	[sflag:s0] =	ssyncset.done @!p0 $0x0  }
0x108: {  	[sflag:s0] =	ssyncadd.s32 @!p0 s1  }
0x109: {  	[bflag:$0x3] =	sbarrier.arrive $0xFFFF  }
0x10a: {  	_ =	shalt  }

</sc_bundles>
